<compile_context>
chip_gen: v7x
topology: tpu7x:2x2x1
jax: 0.10.2.dev20260603
libtpu: 0.0.44.dev20260713+nightly
codegen_flags: <defaults>
</compile_context>

<pallas_src>
import functools

import jax
import jax.numpy as jnp
import numpy as np
from jax import lax
from jax.experimental import pallas as pl
from jax.experimental.pallas import tpu as pltpu
from jax.experimental.pallas import tpu_sc as plsc

_VP = 1024
_L = 16
_NW = 32
_NNEG = 5
_GCH = 128


def _gram_body(ab_hbm, o_ref, a_v, b_v, sem):
    v = ab_hbm.shape[0] // 2
    ca = pltpu.make_async_copy(ab_hbm.at[pl.ds(0, v)], a_v, sem)
    cb = pltpu.make_async_copy(ab_hbm.at[pl.ds(v, v)], b_v, sem)
    ca.start()
    cb.start()
    ca.wait()
    cb.wait()
    a = jnp.pad(a_v[...], ((0, _VP - v), (0, 0)))
    b = jnp.pad(b_v[...], ((0, _VP - v), (0, 0)))
    g = lax.dot_general(a, b, (((1,), (1,)), ((), ())),
                        preferred_element_type=jnp.float32)
    o_ref[...] = g.reshape(_VP * _VP // 128, 128)


def _log_sigmoid(x):
    u = jnp.exp(-jnp.abs(x))
    s = u / (2.0 + u)
    s2 = s * s
    p = 1.0 + s2 * (1.0 / 3.0 + s2 * (1.0 / 5.0 + s2 * (1.0 / 7.0 + s2 * (1.0 / 9.0))))
    return jnp.minimum(x, 0.0) - 2.0 * s * p


def _rotl(x, d):
    d = np.uint32(d)
    return (x << d) | (x >> np.uint32(32 - d))


def _threefry2x32(k1, k2, x0, x1):
    rots = ((13, 15, 26, 6), (17, 29, 16, 24))
    ks = (np.uint32(k1), np.uint32(k2),
          np.uint32(k1) ^ np.uint32(k2) ^ np.uint32(0x1BD11BDA))
    x0 = (x0 + ks[0]).astype(np.uint32)
    x1 = (x1 + ks[1]).astype(np.uint32)
    for i in range(5):
        for r in rots[i % 2]:
            x0 = (x0 + x1).astype(np.uint32)
            x1 = x0 ^ _rotl(x1, r)
        x0 = (x0 + ks[(i + 1) % 3]).astype(np.uint32)
        x1 = (x1 + ks[(i + 2) % 3] + np.uint32(i + 1)).astype(np.uint32)
    return x0, x1


def _np_randint(k1, k2, n, span):
    hi2 = np.zeros(2, np.uint32)
    lo2 = np.arange(2, dtype=np.uint32)
    b1, b2 = _threefry2x32(k1, k2, hi2, lo2)
    idx = np.arange(n, dtype=np.uint64)
    chi = (idx >> np.uint64(32)).astype(np.uint32)
    clo = (idx & np.uint64(0xFFFFFFFF)).astype(np.uint32)
    h1, h2 = _threefry2x32(b1[0], b2[0], chi, clo)
    l1, l2 = _threefry2x32(b1[1], b2[1], chi, clo)
    higher, lower = h1 ^ h2, l1 ^ l2
    span = np.uint32(span)
    mult = np.uint32((int(2**16 % span) ** 2) % int(span))
    return (((higher % span) * mult + lower % span) % span).astype(np.int32)


@functools.cache
def _neg_draw(B, V):
    neg = _np_randint(np.uint32(0), np.uint32(42), B * _NNEG, V).reshape(B, _NNEG)
    f0, f1 = _threefry2x32(np.uint32(0), np.uint32(42),
                           np.zeros(1, np.uint32), np.ones(1, np.uint32))
    res = _np_randint(f0[0], f1[0], B * _NNEG, V).reshape(B, _NNEG)
    bpw = B // _NW
    neg_wj = neg.reshape(_NW, bpw, _NNEG).transpose(0, 2, 1).reshape(-1)
    res_wj = res.reshape(_NW, bpw, _NNEG).transpose(0, 2, 1).reshape(-1)
    return np.ascontiguousarray(neg_wj | (res_wj << 10)).astype(np.int32)


@functools.cache
def _make_sc_kernel(B):
    bpw = B // _NW
    npw = bpw * _NNEG
    chunks = bpw // _L
    scale = -1.0 / B
    mesh = plsc.VectorSubcoreMesh(core_axis_name="c", subcore_axis_name="s")

    @functools.partial(
        pl.kernel, mesh=mesh,
        out_type=jax.ShapeDtypeStruct((_NW * _L,), jnp.float32),
        scratch_types=[
            pltpu.VMEM((bpw,), jnp.int32),
            pltpu.VMEM((bpw,), jnp.int32),
            pltpu.VMEM((npw,), jnp.int32),
            pltpu.VMEM((_L,), jnp.int32),
            pltpu.VMEM((bpw,), jnp.int32),
            pltpu.VMEM((npw,), jnp.int32),
            pltpu.VMEM((bpw,), jnp.float32),
            pltpu.VMEM((npw,), jnp.float32),
            pltpu.VMEM((_L,), jnp.float32),
            pltpu.SemaphoreType.DMA,
            pltpu.SemaphoreType.DMA,
            pltpu.SemaphoreType.DMA,
            pltpu.SemaphoreType.DMA,
        ] + [pltpu.SemaphoreType.DMA] * _NNEG,
    )
    def sc_kernel(g_hbm, tgt_hbm, ctx_hbm, pk_hbm, nn_hbm, out_hbm,
                  tgt_v, ctx_v, pk_v, nn_v, pidx_v, nidx_v,
                  ps_v, ns_v, acc_v, semi, semk, semn, semp, *semj):
        info = plsc.get_sparse_core_info()
        wid = lax.axis_index("c") * info.num_subcores + lax.axis_index("s")
        eb = wid * bpw
        nb = wid * npw
        ci_t = pltpu.async_copy(tgt_hbm.at[pl.ds(eb, bpw)], tgt_v, semi)
        ci_c = pltpu.async_copy(ctx_hbm.at[pl.ds(eb, bpw)], ctx_v, semi)
        ci_p = pltpu.async_copy(pk_hbm.at[pl.ds(nb, npw)], pk_v, semk)
        ci_n = pltpu.async_copy(nn_hbm, nn_v, semn)
        ci_t.wait()
        ci_c.wait()

        def pos_idx_body(c, _):
            t16 = tgt_v[pl.ds(c * _L, _L)]
            c16 = ctx_v[pl.ds(c * _L, _L)]
            pidx_v[pl.ds(c * _L, _L)] = t16 * _VP + c16
            return 0
        lax.fori_loop(0, chunks, pos_idx_body, 0)
        pos_handles = [
            pltpu.async_copy(g_hbm.at[pidx_v.at[pl.ds(k * _GCH, _GCH)]],
                             ps_v.at[pl.ds(k * _GCH, _GCH)], semp)
            for k in range(bpw // _GCH)]

        ci_p.wait()
        neg_handles = []
        for j in range(_NNEG):
            def neg_idx_body(c, _, j=j):
                t16 = tgt_v[pl.ds(c * _L, _L)]
                c16 = ctx_v[pl.ds(c * _L, _L)]
                w16 = pk_v[pl.ds(j * bpw + c * _L, _L)]
                n16 = lax.bitwise_and(w16, _VP - 1)
                r16 = lax.shift_right_logical(w16, 10)
                n16 = jnp.where(n16 == c16, r16, n16)
                nidx_v[pl.ds(j * bpw + c * _L, _L)] = t16 * _VP + n16
                return 0
            lax.fori_loop(0, chunks, neg_idx_body, 0)
            neg_handles.append([
                pltpu.async_copy(
                    g_hbm.at[nidx_v.at[pl.ds(j * bpw + k * _GCH, _GCH)]],
                    ns_v.at[pl.ds(j * bpw + k * _GCH, _GCH)], semj[j])
                for k in range(bpw // _GCH)])

        for h in pos_handles:
            h.wait()

        def pos_acc_body(c, acc):
            x = ps_v[pl.ds(c * _L, _L)]
            return acc + _log_sigmoid(x)
        acc = lax.fori_loop(0, chunks, pos_acc_body,
                            jnp.zeros((_L,), jnp.float32))

        ci_n.wait()
        nn16 = nn_v[...]
        for j in range(_NNEG):
            for h in neg_handles[j]:
                h.wait()

            def neg_acc_body(c, jacc, j=j):
                x = ns_v[pl.ds(j * bpw + c * _L, _L)]
                return jacc + _log_sigmoid(-x)
            jacc = lax.fori_loop(0, chunks, neg_acc_body,
                                 jnp.zeros((_L,), jnp.float32))
            acc = acc + jnp.where(nn16 > j, jacc, jnp.zeros((_L,), jnp.float32))

        acc_v[...] = acc * scale
        pltpu.sync_copy(acc_v, out_hbm.at[pl.ds(wid * _L, _L)])

    return sc_kernel


def kernel(in_table, out_table, target, context, num_neg):
    V, _ = in_table.shape
    B = target.shape[0]
    ab = jnp.concatenate(
        [in_table.astype(jnp.bfloat16), out_table.astype(jnp.bfloat16)], 0)
    gram = pl.pallas_call(
        _gram_body,
        in_specs=[pl.BlockSpec(memory_space=pltpu.MemorySpace.HBM)],
        out_shape=jax.ShapeDtypeStruct((_VP * _VP // 128, 128), jnp.float32),
        scratch_shapes=[
            pltpu.VMEM(in_table.shape, jnp.bfloat16),
            pltpu.VMEM(out_table.shape, jnp.bfloat16),
            pltpu.SemaphoreType.DMA,
        ],
    )(ab)
    gflat = gram.reshape(_VP * _VP)

    packed = _neg_draw(B, V)
    nn16 = jnp.full((_L,), num_neg, dtype=jnp.int32)

    partials = _make_sc_kernel(B)(
        gflat, target, context, jnp.asarray(packed), nn16)
    return jnp.sum(partials)

# --- scband reference (transcript-rebuilt; emitter-appended) ---
"""Pipeline reference for scband-skip-gram-46222438040221 (READ-ONLY COPY).

The authoritative reference and input builder live on the scoring server;
editing this copy changes nothing except your own understanding.
"""

import jax, jax.numpy as jnp
import numpy as np

VOCAB = 1000
DIM = 64
NUM_NEG = 5

def setup_inputs(seed: int = 0) -> dict:
    key = jax.random.key(seed)
    k1, k2, k3, k4 = jax.random.split(key, 4)
    in_table = jax.random.normal(k1, (VOCAB, DIM), dtype=jnp.float32) * 0.02
    out_table = jax.random.normal(k2, (VOCAB, DIM), dtype=jnp.float32) * 0.02
    target = jax.random.randint(k3, (16384,), 0, VOCAB, dtype=jnp.int32)
    context = jax.random.randint(k4, (16384,), 0, VOCAB, dtype=jnp.int32)
    return {"in_table": in_table, "out_table": out_table, "target": target, "context": context, "num_neg": NUM_NEG}

def reference(in_table, out_table, target, context, num_neg):
    # gather embeddings (SparseCore-friendly lookups)
    target_emb = jnp.take(in_table, target, axis=0)
    context_emb = jnp.take(out_table, context, axis=0)
    pos_scores = jnp.sum(target_emb * context_emb, axis=1)
    # negative sampling (randomness inside forward, fixed key for reproducibility)
    nkey = jax.random.key(42)
    neg_sample = jax.random.randint(nkey, (target.shape[0], NUM_NEG), 0, VOCAB, dtype=jnp.int32)
    # resample collisions with the positive context (faithful to intent of the torch loop)
    rkey = jax.random.fold_in(nkey, 1)
    resample = jax.random.randint(rkey, neg_sample.shape, 0, VOCAB, dtype=jnp.int32)
    neg_sample = jnp.where(neg_sample == context[:, None], resample, neg_sample)
    neg_emb = jnp.take(out_table, neg_sample, axis=0)
    neg_scores = jnp.sum(target_emb[:, None, :] * neg_emb, axis=2)
    pos_loss = jnp.mean(jax.nn.log_sigmoid(pos_scores))
    valid = jnp.arange(NUM_NEG) < num_neg
    neg_loss = jnp.mean(jnp.sum(jnp.where(valid[None, :], jax.nn.log_sigmoid(-neg_scores), 0.0), axis=1))
    all_loss = -(pos_loss + neg_loss)
    return all_loss

if __name__ == "__main__":
    import jax
    _d = setup_inputs()
    print(jax.jit(kernel)(*tuple(_d.values())))

</pallas_src>

<mosaic_0001>
#map = affine_map<(d0, d1) -> (0)>
module attributes {stable_mosaic.version = 14 : i64} {
  func.func @sc_kernel(%arg0: i32, %arg1: i32, %arg2: memref<1048576xf32, #tpu.memory_space<hbm>>, %arg3: memref<16384xi32, #tpu.memory_space<hbm>>, %arg4: memref<16384xi32, #tpu.memory_space<hbm>>, %arg5: memref<81920xi32, #tpu.memory_space<hbm>>, %arg6: memref<16xi32, #tpu.memory_space<hbm>>, %arg7: memref<512xf32, #tpu.memory_space<hbm>>, %arg8: memref<512xi32, #tpu.memory_space<vmem>>, %arg9: memref<512xi32, #tpu.memory_space<vmem>>, %arg10: memref<2560xi32, #tpu.memory_space<vmem>>, %arg11: memref<16xi32, #tpu.memory_space<vmem>>, %arg12: memref<512xi32, #tpu.memory_space<vmem>>, %arg13: memref<2560xi32, #tpu.memory_space<vmem>>, %arg14: memref<512xf32, #tpu.memory_space<vmem>>, %arg15: memref<2560xf32, #tpu.memory_space<vmem>>, %arg16: memref<16xf32, #tpu.memory_space<vmem>>, %arg17: memref<!tpu.dma_semaphore, #tpu.memory_space<semaphore_mem>>, %arg18: memref<!tpu.dma_semaphore, #tpu.memory_space<semaphore_mem>>, %arg19: memref<!tpu.dma_semaphore, #tpu.memory_space<semaphore_mem>>, %arg20: memref<!tpu.dma_semaphore, #tpu.memory_space<semaphore_mem>>, %arg21: memref<!tpu.dma_semaphore, #tpu.memory_space<semaphore_mem>>, %arg22: memref<!tpu.dma_semaphore, #tpu.memory_space<semaphore_mem>>, %arg23: memref<!tpu.dma_semaphore, #tpu.memory_space<semaphore_mem>>, %arg24: memref<!tpu.dma_semaphore, #tpu.memory_space<semaphore_mem>>, %arg25: memref<!tpu.dma_semaphore, #tpu.memory_space<semaphore_mem>>) attributes {dimension_semantics = [#tpu.dimension_semantics<core_parallel>, #tpu.dimension_semantics<subcore_parallel>], iteration_bounds = array<i64: 2, 16>, scalar_prefetch = 0 : i64, scratch_operands = 18 : i64, tpu.core_type = #tpu.core_type<sc_vector_subcore>, window_params = [{transform_indices = #map}, {transform_indices = #map}, {transform_indices = #map}, {transform_indices = #map}, {transform_indices = #map}, {transform_indices = #map}]} {
    %mul3A = arith.constant 16 : i32
    %mul3A_0 = arith.muli %arg0, %mul3A : i32
    %add3A = arith.addi %mul3A_0, %arg1 : i32
    %mul3A_1 = arith.constant 512 : i32
    %mul3A_2 = arith.muli %add3A, %mul3A_1 : i32
    %mul3A_3 = arith.constant 2560 : i32
    %mul3A_4 = arith.muli %add3A, %mul3A_3 : i32
    %dma_start3A = tpu.memref_slice %arg3[%mul3A_2] : memref<16384xi32, #tpu.memory_space<hbm>> -> memref<512xi32, #tpu.memory_space<hbm>>
    %dma_start3A_5 = tpu.memref_slice %arg3[%mul3A_2] : memref<16384xi32, #tpu.memory_space<hbm>> -> memref<512xi32, #tpu.memory_space<hbm>>
    tpu.enqueue_dma source(%dma_start3A_5 : memref<512xi32, #tpu.memory_space<hbm>>) target(%arg8 : memref<512xi32, #tpu.memory_space<vmem>>) target_semaphore(%arg17 : memref<!tpu.dma_semaphore, #tpu.memory_space<semaphore_mem>>)
    %dma_start3A_6 = tpu.memref_slice %arg4[%mul3A_2] : memref<16384xi32, #tpu.memory_space<hbm>> -> memref<512xi32, #tpu.memory_space<hbm>>
    %dma_start3A_7 = tpu.memref_slice %arg4[%mul3A_2] : memref<16384xi32, #tpu.memory_space<hbm>> -> memref<512xi32, #tpu.memory_space<hbm>>
    tpu.enqueue_dma source(%dma_start3A_7 : memref<512xi32, #tpu.memory_space<hbm>>) target(%arg9 : memref<512xi32, #tpu.memory_space<vmem>>) target_semaphore(%arg17 : memref<!tpu.dma_semaphore, #tpu.memory_space<semaphore_mem>>)
    %dma_start3A_8 = tpu.memref_slice %arg5[%mul3A_4] : memref<81920xi32, #tpu.memory_space<hbm>> -> memref<2560xi32, #tpu.memory_space<hbm>>
    %dma_start3A_9 = tpu.memref_slice %arg5[%mul3A_4] : memref<81920xi32, #tpu.memory_space<hbm>> -> memref<2560xi32, #tpu.memory_space<hbm>>
    tpu.enqueue_dma source(%dma_start3A_9 : memref<2560xi32, #tpu.memory_space<hbm>>) target(%arg10 : memref<2560xi32, #tpu.memory_space<vmem>>) target_semaphore(%arg18 : memref<!tpu.dma_semaphore, #tpu.memory_space<semaphore_mem>>)
    tpu.enqueue_dma source(%arg6 : memref<16xi32, #tpu.memory_space<hbm>>) target(%arg11 : memref<16xi32, #tpu.memory_space<vmem>>) target_semaphore(%arg19 : memref<!tpu.dma_semaphore, #tpu.memory_space<semaphore_mem>>)
    %dma_wait3A = tpu.memref_slice %arg3[%mul3A_2] : memref<16384xi32, #tpu.memory_space<hbm>> -> memref<512xi32, #tpu.memory_space<hbm>>
    %dma_wait3A_10 = tpu.memref_slice %arg3[%mul3A_2] : memref<16384xi32, #tpu.memory_space<hbm>> -> memref<512xi32, #tpu.memory_space<hbm>>
    tpu.wait_dma2 semaphore(%arg17 : memref<!tpu.dma_semaphore, #tpu.memory_space<semaphore_mem>>) src(%dma_wait3A_10 : memref<512xi32, #tpu.memory_space<hbm>>) dst(%arg8 : memref<512xi32, #tpu.memory_space<vmem>>)
    %dma_wait3A_11 = tpu.memref_slice %arg4[%mul3A_2] : memref<16384xi32, #tpu.memory_space<hbm>> -> memref<512xi32, #tpu.memory_space<hbm>>
    %dma_wait3A_12 = tpu.memref_slice %arg4[%mul3A_2] : memref<16384xi32, #tpu.memory_space<hbm>> -> memref<512xi32, #tpu.memory_space<hbm>>
    tpu.wait_dma2 semaphore(%arg17 : memref<!tpu.dma_semaphore, #tpu.memory_space<semaphore_mem>>) src(%dma_wait3A_12 : memref<512xi32, #tpu.memory_space<hbm>>) dst(%arg9 : memref<512xi32, #tpu.memory_space<vmem>>)
    %scan3A = arith.constant 0 : i32
    %scan3A_13 = arith.constant 0 : i32
    %scan3A_14 = arith.constant 32 : i32
    %scan3A_15 = arith.addi %scan3A_13, %scan3A_14 : i32
    %scan3A_16 = arith.constant 1 : i32
    %scan3A_17 = scf.for %scan3A_434 = %scan3A_13 to %scan3A_15 step %scan3A_16 iter_args(%scan3A_435 = %scan3A) -> (i32)  : i32 {
      %mul3A_436 = arith.constant 16 : i32
      %mul3A_437 = arith.muli %scan3A_434, %mul3A_436 : i32
      %get3A_438 = arith.index_cast %mul3A_437 : i32 to index
      %get3A_439 = tpu.vector_load %arg8[%get3A_438] {strides = array<i32>} : memref<512xi32, #tpu.memory_space<vmem>>, vector<16xi32>,
      %get3A_440 = vector.shape_cast %get3A_439 : vector<16xi32> to vector<16xi32>
      %mul3A_441 = arith.constant 16 : i32
      %mul3A_442 = arith.muli %scan3A_434, %mul3A_441 : i32
      %get3A_443 = arith.index_cast %mul3A_442 : i32 to index
      %get3A_444 = tpu.vector_load %arg9[%get3A_443] {strides = array<i32>} : memref<512xi32, #tpu.memory_space<vmem>>, vector<16xi32>,
      %get3A_445 = vector.shape_cast %get3A_444 : vector<16xi32> to vector<16xi32>
      %mul3A_446 = arith.constant 1024 : i32
      %mul3A_447 = vector.broadcast %mul3A_446 : i32 to vector<16xi32>
      %mul3A_448 = arith.muli %get3A_440, %mul3A_447 : vector<16xi32>
      %add3A_449 = arith.addi %mul3A_448, %get3A_445 : vector<16xi32>
      %mul3A_450 = arith.constant 16 : i32
      %mul3A_451 = arith.muli %scan3A_434, %mul3A_450 : i32
      %swap3A_452 = arith.index_cast %mul3A_451 : i32 to index
      %swap3A_453 = tpu.vector_load %arg12[%swap3A_452] {strides = array<i32>} : memref<512xi32, #tpu.memory_space<vmem>>, vector<16xi32>,
      %swap3A_454 = vector.shape_cast %swap3A_453 : vector<16xi32> to vector<16xi32>
      %swap3A_455 = vector.shape_cast %add3A_449 : vector<16xi32> to vector<16xi32>
      tpu.vector_store %arg12[%swap3A_452], %swap3A_455 {strides = array<i32>} : memref<512xi32, #tpu.memory_space<vmem>>, vector<16xi32>,
      %scan3A_456 = arith.constant 0 : i32
      scf.yield %scan3A_456 : i32
    }
    %scan3A_18 = arith.constant 32 : i32
    %dma_start3A_19 = arith.constant 0 : i32
    %dma_start3A_20 = tpu.memref_slice %arg14[%dma_start3A_19] : memref<512xf32, #tpu.memory_space<vmem>> -> memref<128xf32, #tpu.memory_space<vmem>>
    %dma_start3A_21 = arith.constant 0 : i32
    %dma_start3A_22 = tpu.memref_slice %arg12[%dma_start3A_21] : memref<512xi32, #tpu.memory_space<vmem>> -> memref<128xi32, #tpu.memory_space<vmem>>
    %dma_start3A_23 = arith.constant 0 : i32
    %dma_start3A_24 = tpu.memref_slice %arg2[%dma_start3A_23] : memref<1048576xf32, #tpu.memory_space<hbm>> -> memref<1048576xf32, #tpu.memory_space<hbm>>
    tpu.enqueue_indirect_dma source(%dma_start3A_24 : memref<1048576xf32, #tpu.memory_space<hbm>>) target(%dma_start3A_20 : memref<128xf32, #tpu.memory_space<vmem>>) offsets(%dma_start3A_22 : memref<128xi32, #tpu.memory_space<vmem>>) semaphore(%arg20 : memref<!tpu.dma_semaphore, #tpu.memory_space<semaphore_mem>>)
    %dma_start3A_25 = arith.constant 128 : i32
    %dma_start3A_26 = tpu.memref_slice %arg14[%dma_start3A_25] : memref<512xf32, #tpu.memory_space<vmem>> -> memref<128xf32, #tpu.memory_space<vmem>>
    %dma_start3A_27 = arith.constant 128 : i32
    %dma_start3A_28 = tpu.memref_slice %arg12[%dma_start3A_27] : memref<512xi32, #tpu.memory_space<vmem>> -> memref<128xi32, #tpu.memory_space<vmem>>
    %dma_start3A_29 = arith.constant 0 : i32
    %dma_start3A_30 = tpu.memref_slice %arg2[%dma_start3A_29] : memref<1048576xf32, #tpu.memory_space<hbm>> -> memref<1048576xf32, #tpu.memory_space<hbm>>
    tpu.enqueue_indirect_dma source(%dma_start3A_30 : memref<1048576xf32, #tpu.memory_space<hbm>>) target(%dma_start3A_26 : memref<128xf32, #tpu.memory_space<vmem>>) offsets(%dma_start3A_28 : memref<128xi32, #tpu.memory_space<vmem>>) semaphore(%arg20 : memref<!tpu.dma_semaphore, #tpu.memory_space<semaphore_mem>>)
    %dma_start3A_31 = arith.constant 256 : i32
    %dma_start3A_32 = tpu.memref_slice %arg14[%dma_start3A_31] : memref<512xf32, #tpu.memory_space<vmem>> -> memref<128xf32, #tpu.memory_space<vmem>>
    %dma_start3A_33 = arith.constant 256 : i32
    %dma_start3A_34 = tpu.memref_slice %arg12[%dma_start3A_33] : memref<512xi32, #tpu.memory_space<vmem>> -> memref<128xi32, #tpu.memory_space<vmem>>
    %dma_start3A_35 = arith.constant 0 : i32
    %dma_start3A_36 = tpu.memref_slice %arg2[%dma_start3A_35] : memref<1048576xf32, #tpu.memory_space<hbm>> -> memref<1048576xf32, #tpu.memory_space<hbm>>
    tpu.enqueue_indirect_dma source(%dma_start3A_36 : memref<1048576xf32, #tpu.memory_space<hbm>>) target(%dma_start3A_32 : memref<128xf32, #tpu.memory_space<vmem>>) offsets(%dma_start3A_34 : memref<128xi32, #tpu.memory_space<vmem>>) semaphore(%arg20 : memref<!tpu.dma_semaphore, #tpu.memory_space<semaphore_mem>>)
    %dma_start3A_37 = arith.constant 384 : i32
    %dma_start3A_38 = tpu.memref_slice %arg14[%dma_start3A_37] : memref<512xf32, #tpu.memory_space<vmem>> -> memref<128xf32, #tpu.memory_space<vmem>>
    %dma_start3A_39 = arith.constant 384 : i32
    %dma_start3A_40 = tpu.memref_slice %arg12[%dma_start3A_39] : memref<512xi32, #tpu.memory_space<vmem>> -> memref<128xi32, #tpu.memory_space<vmem>>
    %dma_start3A_41 = arith.constant 0 : i32
    %dma_start3A_42 = tpu.memref_slice %arg2[%dma_start3A_41] : memref<1048576xf32, #tpu.memory_space<hbm>> -> memref<1048576xf32, #tpu.memory_space<hbm>>
    tpu.enqueue_indirect_dma source(%dma_start3A_42 : memref<1048576xf32, #tpu.memory_space<hbm>>) target(%dma_start3A_38 : memref<128xf32, #tpu.memory_space<vmem>>) offsets(%dma_start3A_40 : memref<128xi32, #tpu.memory_space<vmem>>) semaphore(%arg20 : memref<!tpu.dma_semaphore, #tpu.memory_space<semaphore_mem>>)
    %dma_wait3A_43 = tpu.memref_slice %arg5[%mul3A_4] : memref<81920xi32, #tpu.memory_space<hbm>> -> memref<2560xi32, #tpu.memory_space<hbm>>
    %dma_wait3A_44 = tpu.memref_slice %arg5[%mul3A_4] : memref<81920xi32, #tpu.memory_space<hbm>> -> memref<2560xi32, #tpu.memory_space<hbm>>
    tpu.wait_dma2 semaphore(%arg18 : memref<!tpu.dma_semaphore, #tpu.memory_space<semaphore_mem>>) src(%dma_wait3A_44 : memref<2560xi32, #tpu.memory_space<hbm>>) dst(%arg10 : memref<2560xi32, #tpu.memory_space<vmem>>)
    %scan3A_45 = arith.constant 0 : i32
    %scan3A_46 = arith.constant 0 : i32
    %scan3A_47 = arith.constant 32 : i32
    %scan3A_48 = arith.addi %scan3A_46, %scan3A_47 : i32
    %scan3A_49 = arith.constant 1 : i32
    %scan3A_50 = scf.for %scan3A_434 = %scan3A_46 to %scan3A_48 step %scan3A_49 iter_args(%scan3A_435 = %scan3A_45) -> (i32)  : i32 {
      %mul3A_436 = arith.constant 16 : i32
      %mul3A_437 = arith.muli %scan3A_434, %mul3A_436 : i32
      %get3A_438 = arith.index_cast %mul3A_437 : i32 to index
      %get3A_439 = tpu.vector_load %arg8[%get3A_438] {strides = array<i32>} : memref<512xi32, #tpu.memory_space<vmem>>, vector<16xi32>,
      %get3A_440 = vector.shape_cast %get3A_439 : vector<16xi32> to vector<16xi32>
      %mul3A_441 = arith.constant 16 : i32
      %mul3A_442 = arith.muli %scan3A_434, %mul3A_441 : i32
      %get3A_443 = arith.index_cast %mul3A_442 : i32 to index
      %get3A_444 = tpu.vector_load %arg9[%get3A_443] {strides = array<i32>} : memref<512xi32, #tpu.memory_space<vmem>>, vector<16xi32>,
      %get3A_445 = vector.shape_cast %get3A_444 : vector<16xi32> to vector<16xi32>
      %mul3A_446 = arith.constant 16 : i32
      %mul3A_447 = arith.muli %scan3A_434, %mul3A_446 : i32
      %add3A_448 = arith.constant 0 : i32
      %add3A_449 = arith.addi %add3A_448, %mul3A_447 : i32
      %get3A_450 = arith.index_cast %add3A_449 : i32 to index
      %get3A_451 = tpu.vector_load %arg10[%get3A_450] {strides = array<i32>} : memref<2560xi32, #tpu.memory_space<vmem>>, vector<16xi32>,
      %get3A_452 = vector.shape_cast %get3A_451 : vector<16xi32> to vector<16xi32>
      %and3A = arith.constant 1023 : i32
      %and3A_453 = vector.broadcast %and3A : i32 to vector<16xi32>
      %and3A_454 = arith.andi %get3A_452, %and3A_453 : vector<16xi32>
      %shift_right_logical3A = arith.constant 10 : i32
      %shift_right_logical3A_455 = vector.broadcast %shift_right_logical3A : i32 to vector<16xi32>
      %shift_right_logical3A_456 = arith.shrui %get3A_452, %shift_right_logical3A_455 : vector<16xi32>
      %eq3A = arith.cmpi eq, %and3A_454, %get3A_445 : vector<16xi32>
      %select_n3A_457 = arith.select %eq3A, %shift_right_logical3A_456, %and3A_454 : vector<16xi1>, vector<16xi32>
      %mul3A_458 = arith.constant 1024 : i32
      %mul3A_459 = vector.broadcast %mul3A_458 : i32 to vector<16xi32>
      %mul3A_460 = arith.muli %get3A_440, %mul3A_459 : vector<16xi32>
      %add3A_461 = arith.addi %mul3A_460, %select_n3A_457 : vector<16xi32>
      %mul3A_462 = arith.constant 16 : i32
      %mul3A_463 = arith.muli %scan3A_434, %mul3A_462 : i32
      %add3A_464 = arith.constant 0 : i32
      %add3A_465 = arith.addi %add3A_464, %mul3A_463 : i32
      %swap3A_466 = arith.index_cast %add3A_465 : i32 to index
      %swap3A_467 = tpu.vector_load %arg13[%swap3A_466] {strides = array<i32>} : memref<2560xi32, #tpu.memory_space<vmem>>, vector<16xi32>,
      %swap3A_468 = vector.shape_cast %swap3A_467 : vector<16xi32> to vector<16xi32>
      %swap3A_469 = vector.shape_cast %add3A_461 : vector<16xi32> to vector<16xi32>
      tpu.vector_store %arg13[%swap3A_466], %swap3A_469 {strides = array<i32>} : memref<2560xi32, #tpu.memory_space<vmem>>, vector<16xi32>,
      %scan3A_470 = arith.constant 0 : i32
      scf.yield %scan3A_470 : i32
    }
    %scan3A_51 = arith.constant 32 : i32
    %dma_start3A_52 = arith.constant 0 : i32
    %dma_start3A_53 = tpu.memref_slice %arg15[%dma_start3A_52] : memref<2560xf32, #tpu.memory_space<vmem>> -> memref<128xf32, #tpu.memory_space<vmem>>
    %dma_start3A_54 = arith.constant 0 : i32
    %dma_start3A_55 = tpu.memref_slice %arg13[%dma_start3A_54] : memref<2560xi32, #tpu.memory_space<vmem>> -> memref<128xi32, #tpu.memory_space<vmem>>
    %dma_start3A_56 = arith.constant 0 : i32
    %dma_start3A_57 = tpu.memref_slice %arg2[%dma_start3A_56] : memref<1048576xf32, #tpu.memory_space<hbm>> -> memref<1048576xf32, #tpu.memory_space<hbm>>
    tpu.enqueue_indirect_dma source(%dma_start3A_57 : memref<1048576xf32, #tpu.memory_space<hbm>>) target(%dma_start3A_53 : memref<128xf32, #tpu.memory_space<vmem>>) offsets(%dma_start3A_55 : memref<128xi32, #tpu.memory_space<vmem>>) semaphore(%arg21 : memref<!tpu.dma_semaphore, #tpu.memory_space<semaphore_mem>>)
    %dma_start3A_58 = arith.constant 128 : i32
    %dma_start3A_59 = tpu.memref_slice %arg15[%dma_start3A_58] : memref<2560xf32, #tpu.memory_space<vmem>> -> memref<128xf32, #tpu.memory_space<vmem>>
    %dma_start3A_60 = arith.constant 128 : i32
    %dma_start3A_61 = tpu.memref_slice %arg13[%dma_start3A_60] : memref<2560xi32, #tpu.memory_space<vmem>> -> memref<128xi32, #tpu.memory_space<vmem>>
    %dma_start3A_62 = arith.constant 0 : i32
    %dma_start3A_63 = tpu.memref_slice %arg2[%dma_start3A_62] : memref<1048576xf32, #tpu.memory_space<hbm>> -> memref<1048576xf32, #tpu.memory_space<hbm>>
    tpu.enqueue_indirect_dma source(%dma_start3A_63 : memref<1048576xf32, #tpu.memory_space<hbm>>) target(%dma_start3A_59 : memref<128xf32, #tpu.memory_space<vmem>>) offsets(%dma_start3A_61 : memref<128xi32, #tpu.memory_space<vmem>>) semaphore(%arg21 : memref<!tpu.dma_semaphore, #tpu.memory_space<semaphore_mem>>)
    %dma_start3A_64 = arith.constant 256 : i32
    %dma_start3A_65 = tpu.memref_slice %arg15[%dma_start3A_64] : memref<2560xf32, #tpu.memory_space<vmem>> -> memref<128xf32, #tpu.memory_space<vmem>>
    %dma_start3A_66 = arith.constant 256 : i32
    %dma_start3A_67 = tpu.memref_slice %arg13[%dma_start3A_66] : memref<2560xi32, #tpu.memory_space<vmem>> -> memref<128xi32, #tpu.memory_space<vmem>>
    %dma_start3A_68 = arith.constant 0 : i32
    %dma_start3A_69 = tpu.memref_slice %arg2[%dma_start3A_68] : memref<1048576xf32, #tpu.memory_space<hbm>> -> memref<1048576xf32, #tpu.memory_space<hbm>>
    tpu.enqueue_indirect_dma source(%dma_start3A_69 : memref<1048576xf32, #tpu.memory_space<hbm>>) target(%dma_start3A_65 : memref<128xf32, #tpu.memory_space<vmem>>) offsets(%dma_start3A_67 : memref<128xi32, #tpu.memory_space<vmem>>) semaphore(%arg21 : memref<!tpu.dma_semaphore, #tpu.memory_space<semaphore_mem>>)
    %dma_start3A_70 = arith.constant 384 : i32
    %dma_start3A_71 = tpu.memref_slice %arg15[%dma_start3A_70] : memref<2560xf32, #tpu.memory_space<vmem>> -> memref<128xf32, #tpu.memory_space<vmem>>
    %dma_start3A_72 = arith.constant 384 : i32
    %dma_start3A_73 = tpu.memref_slice %arg13[%dma_start3A_72] : memref<2560xi32, #tpu.memory_space<vmem>> -> memref<128xi32, #tpu.memory_space<vmem>>
    %dma_start3A_74 = arith.constant 0 : i32
    %dma_start3A_75 = tpu.memref_slice %arg2[%dma_start3A_74] : memref<1048576xf32, #tpu.memory_space<hbm>> -> memref<1048576xf32, #tpu.memory_space<hbm>>
    tpu.enqueue_indirect_dma source(%dma_start3A_75 : memref<1048576xf32, #tpu.memory_space<hbm>>) target(%dma_start3A_71 : memref<128xf32, #tpu.memory_space<vmem>>) offsets(%dma_start3A_73 : memref<128xi32, #tpu.memory_space<vmem>>) semaphore(%arg21 : memref<!tpu.dma_semaphore, #tpu.memory_space<semaphore_mem>>)
    %scan3A_76 = arith.constant 0 : i32
    %scan3A_77 = arith.constant 0 : i32
    %scan3A_78 = arith.constant 32 : i32
    %scan3A_79 = arith.addi %scan3A_77, %scan3A_78 : i32
    %scan3A_80 = arith.constant 1 : i32
    %scan3A_81 = scf.for %scan3A_434 = %scan3A_77 to %scan3A_79 step %scan3A_80 iter_args(%scan3A_435 = %scan3A_76) -> (i32)  : i32 {
      %mul3A_436 = arith.constant 16 : i32
      %mul3A_437 = arith.muli %scan3A_434, %mul3A_436 : i32
      %get3A_438 = arith.index_cast %mul3A_437 : i32 to index
      %get3A_439 = tpu.vector_load %arg8[%get3A_438] {strides = array<i32>} : memref<512xi32, #tpu.memory_space<vmem>>, vector<16xi32>,
      %get3A_440 = vector.shape_cast %get3A_439 : vector<16xi32> to vector<16xi32>
      %mul3A_441 = arith.constant 16 : i32
      %mul3A_442 = arith.muli %scan3A_434, %mul3A_441 : i32
      %get3A_443 = arith.index_cast %mul3A_442 : i32 to index
      %get3A_444 = tpu.vector_load %arg9[%get3A_443] {strides = array<i32>} : memref<512xi32, #tpu.memory_space<vmem>>, vector<16xi32>,
      %get3A_445 = vector.shape_cast %get3A_444 : vector<16xi32> to vector<16xi32>
      %mul3A_446 = arith.constant 16 : i32
      %mul3A_447 = arith.muli %scan3A_434, %mul3A_446 : i32
      %add3A_448 = arith.constant 512 : i32
      %add3A_449 = arith.addi %add3A_448, %mul3A_447 : i32
      %get3A_450 = arith.index_cast %add3A_449 : i32 to index
      %get3A_451 = tpu.vector_load %arg10[%get3A_450] {strides = array<i32>} : memref<2560xi32, #tpu.memory_space<vmem>>, vector<16xi32>,
      %get3A_452 = vector.shape_cast %get3A_451 : vector<16xi32> to vector<16xi32>
      %and3A = arith.constant 1023 : i32
      %and3A_453 = vector.broadcast %and3A : i32 to vector<16xi32>
      %and3A_454 = arith.andi %get3A_452, %and3A_453 : vector<16xi32>
      %shift_right_logical3A = arith.constant 10 : i32
      %shift_right_logical3A_455 = vector.broadcast %shift_right_logical3A : i32 to vector<16xi32>
      %shift_right_logical3A_456 = arith.shrui %get3A_452, %shift_right_logical3A_455 : vector<16xi32>
      %eq3A = arith.cmpi eq, %and3A_454, %get3A_445 : vector<16xi32>
      %select_n3A_457 = arith.select %eq3A, %shift_right_logical3A_456, %and3A_454 : vector<16xi1>, vector<16xi32>
      %mul3A_458 = arith.constant 1024 : i32
      %mul3A_459 = vector.broadcast %mul3A_458 : i32 to vector<16xi32>
      %mul3A_460 = arith.muli %get3A_440, %mul3A_459 : vector<16xi32>
      %add3A_461 = arith.addi %mul3A_460, %select_n3A_457 : vector<16xi32>
      %mul3A_462 = arith.constant 16 : i32
      %mul3A_463 = arith.muli %scan3A_434, %mul3A_462 : i32
      %add3A_464 = arith.constant 512 : i32
      %add3A_465 = arith.addi %add3A_464, %mul3A_463 : i32
      %swap3A_466 = arith.index_cast %add3A_465 : i32 to index
      %swap3A_467 = tpu.vector_load %arg13[%swap3A_466] {strides = array<i32>} : memref<2560xi32, #tpu.memory_space<vmem>>, vector<16xi32>,
      %swap3A_468 = vector.shape_cast %swap3A_467 : vector<16xi32> to vector<16xi32>
      %swap3A_469 = vector.shape_cast %add3A_461 : vector<16xi32> to vector<16xi32>
      tpu.vector_store %arg13[%swap3A_466], %swap3A_469 {strides = array<i32>} : memref<2560xi32, #tpu.memory_space<vmem>>, vector<16xi32>,
      %scan3A_470 = arith.constant 0 : i32
      scf.yield %scan3A_470 : i32
    }
    %scan3A_82 = arith.constant 32 : i32
    %dma_start3A_83 = arith.constant 512 : i32
    %dma_start3A_84 = tpu.memref_slice %arg15[%dma_start3A_83] : memref<2560xf32, #tpu.memory_space<vmem>> -> memref<128xf32, #tpu.memory_space<vmem>>
    %dma_start3A_85 = arith.constant 512 : i32
    %dma_start3A_86 = tpu.memref_slice %arg13[%dma_start3A_85] : memref<2560xi32, #tpu.memory_space<vmem>> -> memref<128xi32, #tpu.memory_space<vmem>>
    %dma_start3A_87 = arith.constant 0 : i32
    %dma_start3A_88 = tpu.memref_slice %arg2[%dma_start3A_87] : memref<1048576xf32, #tpu.memory_space<hbm>> -> memref<1048576xf32, #tpu.memory_space<hbm>>
    tpu.enqueue_indirect_dma source(%dma_start3A_88 : memref<1048576xf32, #tpu.memory_space<hbm>>) target(%dma_start3A_84 : memref<128xf32, #tpu.memory_space<vmem>>) offsets(%dma_start3A_86 : memref<128xi32, #tpu.memory_space<vmem>>) semaphore(%arg22 : memref<!tpu.dma_semaphore, #tpu.memory_space<semaphore_mem>>)
    %dma_start3A_89 = arith.constant 640 : i32
    %dma_start3A_90 = tpu.memref_slice %arg15[%dma_start3A_89] : memref<2560xf32, #tpu.memory_space<vmem>> -> memref<128xf32, #tpu.memory_space<vmem>>
    %dma_start3A_91 = arith.constant 640 : i32
    %dma_start3A_92 = tpu.memref_slice %arg13[%dma_start3A_91] : memref<2560xi32, #tpu.memory_space<vmem>> -> memref<128xi32, #tpu.memory_space<vmem>>
    %dma_start3A_93 = arith.constant 0 : i32
    %dma_start3A_94 = tpu.memref_slice %arg2[%dma_start3A_93] : memref<1048576xf32, #tpu.memory_space<hbm>> -> memref<1048576xf32, #tpu.memory_space<hbm>>
    tpu.enqueue_indirect_dma source(%dma_start3A_94 : memref<1048576xf32, #tpu.memory_space<hbm>>) target(%dma_start3A_90 : memref<128xf32, #tpu.memory_space<vmem>>) offsets(%dma_start3A_92 : memref<128xi32, #tpu.memory_space<vmem>>) semaphore(%arg22 : memref<!tpu.dma_semaphore, #tpu.memory_space<semaphore_mem>>)
    %dma_start3A_95 = arith.constant 768 : i32
    %dma_start3A_96 = tpu.memref_slice %arg15[%dma_start3A_95] : memref<2560xf32, #tpu.memory_space<vmem>> -> memref<128xf32, #tpu.memory_space<vmem>>
    %dma_start3A_97 = arith.constant 768 : i32
    %dma_start3A_98 = tpu.memref_slice %arg13[%dma_start3A_97] : memref<2560xi32, #tpu.memory_space<vmem>> -> memref<128xi32, #tpu.memory_space<vmem>>
    %dma_start3A_99 = arith.constant 0 : i32
    %dma_start3A_100 = tpu.memref_slice %arg2[%dma_start3A_99] : memref<1048576xf32, #tpu.memory_space<hbm>> -> memref<1048576xf32, #tpu.memory_space<hbm>>
    tpu.enqueue_indirect_dma source(%dma_start3A_100 : memref<1048576xf32, #tpu.memory_space<hbm>>) target(%dma_start3A_96 : memref<128xf32, #tpu.memory_space<vmem>>) offsets(%dma_start3A_98 : memref<128xi32, #tpu.memory_space<vmem>>) semaphore(%arg22 : memref<!tpu.dma_semaphore, #tpu.memory_space<semaphore_mem>>)
    %dma_start3A_101 = arith.constant 896 : i32
    %dma_start3A_102 = tpu.memref_slice %arg15[%dma_start3A_101] : memref<2560xf32, #tpu.memory_space<vmem>> -> memref<128xf32, #tpu.memory_space<vmem>>
    %dma_start3A_103 = arith.constant 896 : i32
    %dma_start3A_104 = tpu.memref_slice %arg13[%dma_start3A_103] : memref<2560xi32, #tpu.memory_space<vmem>> -> memref<128xi32, #tpu.memory_space<vmem>>
    %dma_start3A_105 = arith.constant 0 : i32
    %dma_start3A_106 = tpu.memref_slice %arg2[%dma_start3A_105] : memref<1048576xf32, #tpu.memory_space<hbm>> -> memref<1048576xf32, #tpu.memory_space<hbm>>
    tpu.enqueue_indirect_dma source(%dma_start3A_106 : memref<1048576xf32, #tpu.memory_space<hbm>>) target(%dma_start3A_102 : memref<128xf32, #tpu.memory_space<vmem>>) offsets(%dma_start3A_104 : memref<128xi32, #tpu.memory_space<vmem>>) semaphore(%arg22 : memref<!tpu.dma_semaphore, #tpu.memory_space<semaphore_mem>>)
    %scan3A_107 = arith.constant 0 : i32
    %scan3A_108 = arith.constant 0 : i32
    %scan3A_109 = arith.constant 32 : i32
    %scan3A_110 = arith.addi %scan3A_108, %scan3A_109 : i32
    %scan3A_111 = arith.constant 1 : i32
    %scan3A_112 = scf.for %scan3A_434 = %scan3A_108 to %scan3A_110 step %scan3A_111 iter_args(%scan3A_435 = %scan3A_107) -> (i32)  : i32 {
      %mul3A_436 = arith.constant 16 : i32
      %mul3A_437 = arith.muli %scan3A_434, %mul3A_436 : i32
      %get3A_438 = arith.index_cast %mul3A_437 : i32 to index
      %get3A_439 = tpu.vector_load %arg8[%get3A_438] {strides = array<i32>} : memref<512xi32, #tpu.memory_space<vmem>>, vector<16xi32>,
      %get3A_440 = vector.shape_cast %get3A_439 : vector<16xi32> to vector<16xi32>
      %mul3A_441 = arith.constant 16 : i32
      %mul3A_442 = arith.muli %scan3A_434, %mul3A_441 : i32
      %get3A_443 = arith.index_cast %mul3A_442 : i32 to index
      %get3A_444 = tpu.vector_load %arg9[%get3A_443] {strides = array<i32>} : memref<512xi32, #tpu.memory_space<vmem>>, vector<16xi32>,
      %get3A_445 = vector.shape_cast %get3A_444 : vector<16xi32> to vector<16xi32>
      %mul3A_446 = arith.constant 16 : i32
      %mul3A_447 = arith.muli %scan3A_434, %mul3A_446 : i32
      %add3A_448 = arith.constant 1024 : i32
      %add3A_449 = arith.addi %add3A_448, %mul3A_447 : i32
      %get3A_450 = arith.index_cast %add3A_449 : i32 to index
      %get3A_451 = tpu.vector_load %arg10[%get3A_450] {strides = array<i32>} : memref<2560xi32, #tpu.memory_space<vmem>>, vector<16xi32>,
      %get3A_452 = vector.shape_cast %get3A_451 : vector<16xi32> to vector<16xi32>
      %and3A = arith.constant 1023 : i32
      %and3A_453 = vector.broadcast %and3A : i32 to vector<16xi32>
      %and3A_454 = arith.andi %get3A_452, %and3A_453 : vector<16xi32>
      %shift_right_logical3A = arith.constant 10 : i32
      %shift_right_logical3A_455 = vector.broadcast %shift_right_logical3A : i32 to vector<16xi32>
      %shift_right_logical3A_456 = arith.shrui %get3A_452, %shift_right_logical3A_455 : vector<16xi32>
      %eq3A = arith.cmpi eq, %and3A_454, %get3A_445 : vector<16xi32>
      %select_n3A_457 = arith.select %eq3A, %shift_right_logical3A_456, %and3A_454 : vector<16xi1>, vector<16xi32>
      %mul3A_458 = arith.constant 1024 : i32
      %mul3A_459 = vector.broadcast %mul3A_458 : i32 to vector<16xi32>
      %mul3A_460 = arith.muli %get3A_440, %mul3A_459 : vector<16xi32>
      %add3A_461 = arith.addi %mul3A_460, %select_n3A_457 : vector<16xi32>
      %mul3A_462 = arith.constant 16 : i32
      %mul3A_463 = arith.muli %scan3A_434, %mul3A_462 : i32
      %add3A_464 = arith.constant 1024 : i32
      %add3A_465 = arith.addi %add3A_464, %mul3A_463 : i32
      %swap3A_466 = arith.index_cast %add3A_465 : i32 to index
      %swap3A_467 = tpu.vector_load %arg13[%swap3A_466] {strides = array<i32>} : memref<2560xi32, #tpu.memory_space<vmem>>, vector<16xi32>,
      %swap3A_468 = vector.shape_cast %swap3A_467 : vector<16xi32> to vector<16xi32>
      %swap3A_469 = vector.shape_cast %add3A_461 : vector<16xi32> to vector<16xi32>
      tpu.vector_store %arg13[%swap3A_466], %swap3A_469 {strides = array<i32>} : memref<2560xi32, #tpu.memory_space<vmem>>, vector<16xi32>,
      %scan3A_470 = arith.constant 0 : i32
      scf.yield %scan3A_470 : i32
    }
    %scan3A_113 = arith.constant 32 : i32
    %dma_start3A_114 = arith.constant 1024 : i32
    %dma_start3A_115 = tpu.memref_slice %arg15[%dma_start3A_114] : memref<2560xf32, #tpu.memory_space<vmem>> -> memref<128xf32, #tpu.memory_space<vmem>>
    %dma_start3A_116 = arith.constant 1024 : i32
    %dma_start3A_117 = tpu.memref_slice %arg13[%dma_start3A_116] : memref<2560xi32, #tpu.memory_space<vmem>> -> memref<128xi32, #tpu.memory_space<vmem>>
    %dma_start3A_118 = arith.constant 0 : i32
    %dma_start3A_119 = tpu.memref_slice %arg2[%dma_start3A_118] : memref<1048576xf32, #tpu.memory_space<hbm>> -> memref<1048576xf32, #tpu.memory_space<hbm>>
    tpu.enqueue_indirect_dma source(%dma_start3A_119 : memref<1048576xf32, #tpu.memory_space<hbm>>) target(%dma_start3A_115 : memref<128xf32, #tpu.memory_space<vmem>>) offsets(%dma_start3A_117 : memref<128xi32, #tpu.memory_space<vmem>>) semaphore(%arg23 : memref<!tpu.dma_semaphore, #tpu.memory_space<semaphore_mem>>)
    %dma_start3A_120 = arith.constant 1152 : i32
    %dma_start3A_121 = tpu.memref_slice %arg15[%dma_start3A_120] : memref<2560xf32, #tpu.memory_space<vmem>> -> memref<128xf32, #tpu.memory_space<vmem>>
    %dma_start3A_122 = arith.constant 1152 : i32
    %dma_start3A_123 = tpu.memref_slice %arg13[%dma_start3A_122] : memref<2560xi32, #tpu.memory_space<vmem>> -> memref<128xi32, #tpu.memory_space<vmem>>
    %dma_start3A_124 = arith.constant 0 : i32
    %dma_start3A_125 = tpu.memref_slice %arg2[%dma_start3A_124] : memref<1048576xf32, #tpu.memory_space<hbm>> -> memref<1048576xf32, #tpu.memory_space<hbm>>
    tpu.enqueue_indirect_dma source(%dma_start3A_125 : memref<1048576xf32, #tpu.memory_space<hbm>>) target(%dma_start3A_121 : memref<128xf32, #tpu.memory_space<vmem>>) offsets(%dma_start3A_123 : memref<128xi32, #tpu.memory_space<vmem>>) semaphore(%arg23 : memref<!tpu.dma_semaphore, #tpu.memory_space<semaphore_mem>>)
    %dma_start3A_126 = arith.constant 1280 : i32
    %dma_start3A_127 = tpu.memref_slice %arg15[%dma_start3A_126] : memref<2560xf32, #tpu.memory_space<vmem>> -> memref<128xf32, #tpu.memory_space<vmem>>
    %dma_start3A_128 = arith.constant 1280 : i32
    %dma_start3A_129 = tpu.memref_slice %arg13[%dma_start3A_128] : memref<2560xi32, #tpu.memory_space<vmem>> -> memref<128xi32, #tpu.memory_space<vmem>>
    %dma_start3A_130 = arith.constant 0 : i32
    %dma_start3A_131 = tpu.memref_slice %arg2[%dma_start3A_130] : memref<1048576xf32, #tpu.memory_space<hbm>> -> memref<1048576xf32, #tpu.memory_space<hbm>>
    tpu.enqueue_indirect_dma source(%dma_start3A_131 : memref<1048576xf32, #tpu.memory_space<hbm>>) target(%dma_start3A_127 : memref<128xf32, #tpu.memory_space<vmem>>) offsets(%dma_start3A_129 : memref<128xi32, #tpu.memory_space<vmem>>) semaphore(%arg23 : memref<!tpu.dma_semaphore, #tpu.memory_space<semaphore_mem>>)
    %dma_start3A_132 = arith.constant 1408 : i32
    %dma_start3A_133 = tpu.memref_slice %arg15[%dma_start3A_132] : memref<2560xf32, #tpu.memory_space<vmem>> -> memref<128xf32, #tpu.memory_space<vmem>>
    %dma_start3A_134 = arith.constant 1408 : i32
    %dma_start3A_135 = tpu.memref_slice %arg13[%dma_start3A_134] : memref<2560xi32, #tpu.memory_space<vmem>> -> memref<128xi32, #tpu.memory_space<vmem>>
    %dma_start3A_136 = arith.constant 0 : i32
    %dma_start3A_137 = tpu.memref_slice %arg2[%dma_start3A_136] : memref<1048576xf32, #tpu.memory_space<hbm>> -> memref<1048576xf32, #tpu.memory_space<hbm>>
    tpu.enqueue_indirect_dma source(%dma_start3A_137 : memref<1048576xf32, #tpu.memory_space<hbm>>) target(%dma_start3A_133 : memref<128xf32, #tpu.memory_space<vmem>>) offsets(%dma_start3A_135 : memref<128xi32, #tpu.memory_space<vmem>>) semaphore(%arg23 : memref<!tpu.dma_semaphore, #tpu.memory_space<semaphore_mem>>)
    %scan3A_138 = arith.constant 0 : i32
    %scan3A_139 = arith.constant 0 : i32
    %scan3A_140 = arith.constant 32 : i32
    %scan3A_141 = arith.addi %scan3A_139, %scan3A_140 : i32
    %scan3A_142 = arith.constant 1 : i32
    %scan3A_143 = scf.for %scan3A_434 = %scan3A_139 to %scan3A_141 step %scan3A_142 iter_args(%scan3A_435 = %scan3A_138) -> (i32)  : i32 {
      %mul3A_436 = arith.constant 16 : i32
      %mul3A_437 = arith.muli %scan3A_434, %mul3A_436 : i32
      %get3A_438 = arith.index_cast %mul3A_437 : i32 to index
      %get3A_439 = tpu.vector_load %arg8[%get3A_438] {strides = array<i32>} : memref<512xi32, #tpu.memory_space<vmem>>, vector<16xi32>,
      %get3A_440 = vector.shape_cast %get3A_439 : vector<16xi32> to vector<16xi32>
      %mul3A_441 = arith.constant 16 : i32
      %mul3A_442 = arith.muli %scan3A_434, %mul3A_441 : i32
      %get3A_443 = arith.index_cast %mul3A_442 : i32 to index
      %get3A_444 = tpu.vector_load %arg9[%get3A_443] {strides = array<i32>} : memref<512xi32, #tpu.memory_space<vmem>>, vector<16xi32>,
      %get3A_445 = vector.shape_cast %get3A_444 : vector<16xi32> to vector<16xi32>
      %mul3A_446 = arith.constant 16 : i32
      %mul3A_447 = arith.muli %scan3A_434, %mul3A_446 : i32
      %add3A_448 = arith.constant 1536 : i32
      %add3A_449 = arith.addi %add3A_448, %mul3A_447 : i32
      %get3A_450 = arith.index_cast %add3A_449 : i32 to index
      %get3A_451 = tpu.vector_load %arg10[%get3A_450] {strides = array<i32>} : memref<2560xi32, #tpu.memory_space<vmem>>, vector<16xi32>,
      %get3A_452 = vector.shape_cast %get3A_451 : vector<16xi32> to vector<16xi32>
      %and3A = arith.constant 1023 : i32
      %and3A_453 = vector.broadcast %and3A : i32 to vector<16xi32>
      %and3A_454 = arith.andi %get3A_452, %and3A_453 : vector<16xi32>
      %shift_right_logical3A = arith.constant 10 : i32
      %shift_right_logical3A_455 = vector.broadcast %shift_right_logical3A : i32 to vector<16xi32>
      %shift_right_logical3A_456 = arith.shrui %get3A_452, %shift_right_logical3A_455 : vector<16xi32>
      %eq3A = arith.cmpi eq, %and3A_454, %get3A_445 : vector<16xi32>
      %select_n3A_457 = arith.select %eq3A, %shift_right_logical3A_456, %and3A_454 : vector<16xi1>, vector<16xi32>
      %mul3A_458 = arith.constant 1024 : i32
      %mul3A_459 = vector.broadcast %mul3A_458 : i32 to vector<16xi32>
      %mul3A_460 = arith.muli %get3A_440, %mul3A_459 : vector<16xi32>
      %add3A_461 = arith.addi %mul3A_460, %select_n3A_457 : vector<16xi32>
      %mul3A_462 = arith.constant 16 : i32
      %mul3A_463 = arith.muli %scan3A_434, %mul3A_462 : i32
      %add3A_464 = arith.constant 1536 : i32
      %add3A_465 = arith.addi %add3A_464, %mul3A_463 : i32
      %swap3A_466 = arith.index_cast %add3A_465 : i32 to index
      %swap3A_467 = tpu.vector_load %arg13[%swap3A_466] {strides = array<i32>} : memref<2560xi32, #tpu.memory_space<vmem>>, vector<16xi32>,
      %swap3A_468 = vector.shape_cast %swap3A_467 : vector<16xi32> to vector<16xi32>
      %swap3A_469 = vector.shape_cast %add3A_461 : vector<16xi32> to vector<16xi32>
      tpu.vector_store %arg13[%swap3A_466], %swap3A_469 {strides = array<i32>} : memref<2560xi32, #tpu.memory_space<vmem>>, vector<16xi32>,
      %scan3A_470 = arith.constant 0 : i32
      scf.yield %scan3A_470 : i32
    }
    %scan3A_144 = arith.constant 32 : i32
    %dma_start3A_145 = arith.constant 1536 : i32
    %dma_start3A_146 = tpu.memref_slice %arg15[%dma_start3A_145] : memref<2560xf32, #tpu.memory_space<vmem>> -> memref<128xf32, #tpu.memory_space<vmem>>
    %dma_start3A_147 = arith.constant 1536 : i32
    %dma_start3A_148 = tpu.memref_slice %arg13[%dma_start3A_147] : memref<2560xi32, #tpu.memory_space<vmem>> -> memref<128xi32, #tpu.memory_space<vmem>>
    %dma_start3A_149 = arith.constant 0 : i32
    %dma_start3A_150 = tpu.memref_slice %arg2[%dma_start3A_149] : memref<1048576xf32, #tpu.memory_space<hbm>> -> memref<1048576xf32, #tpu.memory_space<hbm>>
    tpu.enqueue_indirect_dma source(%dma_start3A_150 : memref<1048576xf32, #tpu.memory_space<hbm>>) target(%dma_start3A_146 : memref<128xf32, #tpu.memory_space<vmem>>) offsets(%dma_start3A_148 : memref<128xi32, #tpu.memory_space<vmem>>) semaphore(%arg24 : memref<!tpu.dma_semaphore, #tpu.memory_space<semaphore_mem>>)
    %dma_start3A_151 = arith.constant 1664 : i32
    %dma_start3A_152 = tpu.memref_slice %arg15[%dma_start3A_151] : memref<2560xf32, #tpu.memory_space<vmem>> -> memref<128xf32, #tpu.memory_space<vmem>>
    %dma_start3A_153 = arith.constant 1664 : i32
    %dma_start3A_154 = tpu.memref_slice %arg13[%dma_start3A_153] : memref<2560xi32, #tpu.memory_space<vmem>> -> memref<128xi32, #tpu.memory_space<vmem>>
    %dma_start3A_155 = arith.constant 0 : i32
    %dma_start3A_156 = tpu.memref_slice %arg2[%dma_start3A_155] : memref<1048576xf32, #tpu.memory_space<hbm>> -> memref<1048576xf32, #tpu.memory_space<hbm>>
    tpu.enqueue_indirect_dma source(%dma_start3A_156 : memref<1048576xf32, #tpu.memory_space<hbm>>) target(%dma_start3A_152 : memref<128xf32, #tpu.memory_space<vmem>>) offsets(%dma_start3A_154 : memref<128xi32, #tpu.memory_space<vmem>>) semaphore(%arg24 : memref<!tpu.dma_semaphore, #tpu.memory_space<semaphore_mem>>)
    %dma_start3A_157 = arith.constant 1792 : i32
    %dma_start3A_158 = tpu.memref_slice %arg15[%dma_start3A_157] : memref<2560xf32, #tpu.memory_space<vmem>> -> memref<128xf32, #tpu.memory_space<vmem>>
    %dma_start3A_159 = arith.constant 1792 : i32
    %dma_start3A_160 = tpu.memref_slice %arg13[%dma_start3A_159] : memref<2560xi32, #tpu.memory_space<vmem>> -> memref<128xi32, #tpu.memory_space<vmem>>
    %dma_start3A_161 = arith.constant 0 : i32
    %dma_start3A_162 = tpu.memref_slice %arg2[%dma_start3A_161] : memref<1048576xf32, #tpu.memory_space<hbm>> -> memref<1048576xf32, #tpu.memory_space<hbm>>
    tpu.enqueue_indirect_dma source(%dma_start3A_162 : memref<1048576xf32, #tpu.memory_space<hbm>>) target(%dma_start3A_158 : memref<128xf32, #tpu.memory_space<vmem>>) offsets(%dma_start3A_160 : memref<128xi32, #tpu.memory_space<vmem>>) semaphore(%arg24 : memref<!tpu.dma_semaphore, #tpu.memory_space<semaphore_mem>>)
    %dma_start3A_163 = arith.constant 1920 : i32
    %dma_start3A_164 = tpu.memref_slice %arg15[%dma_start3A_163] : memref<2560xf32, #tpu.memory_space<vmem>> -> memref<128xf32, #tpu.memory_space<vmem>>
    %dma_start3A_165 = arith.constant 1920 : i32
    %dma_start3A_166 = tpu.memref_slice %arg13[%dma_start3A_165] : memref<2560xi32, #tpu.memory_space<vmem>> -> memref<128xi32, #tpu.memory_space<vmem>>
    %dma_start3A_167 = arith.constant 0 : i32
    %dma_start3A_168 = tpu.memref_slice %arg2[%dma_start3A_167] : memref<1048576xf32, #tpu.memory_space<hbm>> -> memref<1048576xf32, #tpu.memory_space<hbm>>
    tpu.enqueue_indirect_dma source(%dma_start3A_168 : memref<1048576xf32, #tpu.memory_space<hbm>>) target(%dma_start3A_164 : memref<128xf32, #tpu.memory_space<vmem>>) offsets(%dma_start3A_166 : memref<128xi32, #tpu.memory_space<vmem>>) semaphore(%arg24 : memref<!tpu.dma_semaphore, #tpu.memory_space<semaphore_mem>>)
    %scan3A_169 = arith.constant 0 : i32
    %scan3A_170 = arith.constant 0 : i32
    %scan3A_171 = arith.constant 32 : i32
    %scan3A_172 = arith.addi %scan3A_170, %scan3A_171 : i32
    %scan3A_173 = arith.constant 1 : i32
    %scan3A_174 = scf.for %scan3A_434 = %scan3A_170 to %scan3A_172 step %scan3A_173 iter_args(%scan3A_435 = %scan3A_169) -> (i32)  : i32 {
      %mul3A_436 = arith.constant 16 : i32
      %mul3A_437 = arith.muli %scan3A_434, %mul3A_436 : i32
      %get3A_438 = arith.index_cast %mul3A_437 : i32 to index
      %get3A_439 = tpu.vector_load %arg8[%get3A_438] {strides = array<i32>} : memref<512xi32, #tpu.memory_space<vmem>>, vector<16xi32>,
      %get3A_440 = vector.shape_cast %get3A_439 : vector<16xi32> to vector<16xi32>
      %mul3A_441 = arith.constant 16 : i32
      %mul3A_442 = arith.muli %scan3A_434, %mul3A_441 : i32
      %get3A_443 = arith.index_cast %mul3A_442 : i32 to index
      %get3A_444 = tpu.vector_load %arg9[%get3A_443] {strides = array<i32>} : memref<512xi32, #tpu.memory_space<vmem>>, vector<16xi32>,
      %get3A_445 = vector.shape_cast %get3A_444 : vector<16xi32> to vector<16xi32>
      %mul3A_446 = arith.constant 16 : i32
      %mul3A_447 = arith.muli %scan3A_434, %mul3A_446 : i32
      %add3A_448 = arith.constant 2048 : i32
      %add3A_449 = arith.addi %add3A_448, %mul3A_447 : i32
      %get3A_450 = arith.index_cast %add3A_449 : i32 to index
      %get3A_451 = tpu.vector_load %arg10[%get3A_450] {strides = array<i32>} : memref<2560xi32, #tpu.memory_space<vmem>>, vector<16xi32>,
      %get3A_452 = vector.shape_cast %get3A_451 : vector<16xi32> to vector<16xi32>
      %and3A = arith.constant 1023 : i32
      %and3A_453 = vector.broadcast %and3A : i32 to vector<16xi32>
      %and3A_454 = arith.andi %get3A_452, %and3A_453 : vector<16xi32>
      %shift_right_logical3A = arith.constant 10 : i32
      %shift_right_logical3A_455 = vector.broadcast %shift_right_logical3A : i32 to vector<16xi32>
      %shift_right_logical3A_456 = arith.shrui %get3A_452, %shift_right_logical3A_455 : vector<16xi32>
      %eq3A = arith.cmpi eq, %and3A_454, %get3A_445 : vector<16xi32>
      %select_n3A_457 = arith.select %eq3A, %shift_right_logical3A_456, %and3A_454 : vector<16xi1>, vector<16xi32>
      %mul3A_458 = arith.constant 1024 : i32
      %mul3A_459 = vector.broadcast %mul3A_458 : i32 to vector<16xi32>
      %mul3A_460 = arith.muli %get3A_440, %mul3A_459 : vector<16xi32>
      %add3A_461 = arith.addi %mul3A_460, %select_n3A_457 : vector<16xi32>
      %mul3A_462 = arith.constant 16 : i32
      %mul3A_463 = arith.muli %scan3A_434, %mul3A_462 : i32
      %add3A_464 = arith.constant 2048 : i32
      %add3A_465 = arith.addi %add3A_464, %mul3A_463 : i32
      %swap3A_466 = arith.index_cast %add3A_465 : i32 to index
      %swap3A_467 = tpu.vector_load %arg13[%swap3A_466] {strides = array<i32>} : memref<2560xi32, #tpu.memory_space<vmem>>, vector<16xi32>,
      %swap3A_468 = vector.shape_cast %swap3A_467 : vector<16xi32> to vector<16xi32>
      %swap3A_469 = vector.shape_cast %add3A_461 : vector<16xi32> to vector<16xi32>
      tpu.vector_store %arg13[%swap3A_466], %swap3A_469 {strides = array<i32>} : memref<2560xi32, #tpu.memory_space<vmem>>, vector<16xi32>,
      %scan3A_470 = arith.constant 0 : i32
      scf.yield %scan3A_470 : i32
    }
    %scan3A_175 = arith.constant 32 : i32
    %dma_start3A_176 = arith.constant 2048 : i32
    %dma_start3A_177 = tpu.memref_slice %arg15[%dma_start3A_176] : memref<2560xf32, #tpu.memory_space<vmem>> -> memref<128xf32, #tpu.memory_space<vmem>>
    %dma_start3A_178 = arith.constant 2048 : i32
    %dma_start3A_179 = tpu.memref_slice %arg13[%dma_start3A_178] : memref<2560xi32, #tpu.memory_space<vmem>> -> memref<128xi32, #tpu.memory_space<vmem>>
    %dma_start3A_180 = arith.constant 0 : i32
    %dma_start3A_181 = tpu.memref_slice %arg2[%dma_start3A_180] : memref<1048576xf32, #tpu.memory_space<hbm>> -> memref<1048576xf32, #tpu.memory_space<hbm>>
    tpu.enqueue_indirect_dma source(%dma_start3A_181 : memref<1048576xf32, #tpu.memory_space<hbm>>) target(%dma_start3A_177 : memref<128xf32, #tpu.memory_space<vmem>>) offsets(%dma_start3A_179 : memref<128xi32, #tpu.memory_space<vmem>>) semaphore(%arg25 : memref<!tpu.dma_semaphore, #tpu.memory_space<semaphore_mem>>)
    %dma_start3A_182 = arith.constant 2176 : i32
    %dma_start3A_183 = tpu.memref_slice %arg15[%dma_start3A_182] : memref<2560xf32, #tpu.memory_space<vmem>> -> memref<128xf32, #tpu.memory_space<vmem>>
    %dma_start3A_184 = arith.constant 2176 : i32
    %dma_start3A_185 = tpu.memref_slice %arg13[%dma_start3A_184] : memref<2560xi32, #tpu.memory_space<vmem>> -> memref<128xi32, #tpu.memory_space<vmem>>
    %dma_start3A_186 = arith.constant 0 : i32
    %dma_start3A_187 = tpu.memref_slice %arg2[%dma_start3A_186] : memref<1048576xf32, #tpu.memory_space<hbm>> -> memref<1048576xf32, #tpu.memory_space<hbm>>
    tpu.enqueue_indirect_dma source(%dma_start3A_187 : memref<1048576xf32, #tpu.memory_space<hbm>>) target(%dma_start3A_183 : memref<128xf32, #tpu.memory_space<vmem>>) offsets(%dma_start3A_185 : memref<128xi32, #tpu.memory_space<vmem>>) semaphore(%arg25 : memref<!tpu.dma_semaphore, #tpu.memory_space<semaphore_mem>>)
    %dma_start3A_188 = arith.constant 2304 : i32
    %dma_start3A_189 = tpu.memref_slice %arg15[%dma_start3A_188] : memref<2560xf32, #tpu.memory_space<vmem>> -> memref<128xf32, #tpu.memory_space<vmem>>
    %dma_start3A_190 = arith.constant 2304 : i32
    %dma_start3A_191 = tpu.memref_slice %arg13[%dma_start3A_190] : memref<2560xi32, #tpu.memory_space<vmem>> -> memref<128xi32, #tpu.memory_space<vmem>>
    %dma_start3A_192 = arith.constant 0 : i32
    %dma_start3A_193 = tpu.memref_slice %arg2[%dma_start3A_192] : memref<1048576xf32, #tpu.memory_space<hbm>> -> memref<1048576xf32, #tpu.memory_space<hbm>>
    tpu.enqueue_indirect_dma source(%dma_start3A_193 : memref<1048576xf32, #tpu.memory_space<hbm>>) target(%dma_start3A_189 : memref<128xf32, #tpu.memory_space<vmem>>) offsets(%dma_start3A_191 : memref<128xi32, #tpu.memory_space<vmem>>) semaphore(%arg25 : memref<!tpu.dma_semaphore, #tpu.memory_space<semaphore_mem>>)
    %dma_start3A_194 = arith.constant 2432 : i32
    %dma_start3A_195 = tpu.memref_slice %arg15[%dma_start3A_194] : memref<2560xf32, #tpu.memory_space<vmem>> -> memref<128xf32, #tpu.memory_space<vmem>>
    %dma_start3A_196 = arith.constant 2432 : i32
    %dma_start3A_197 = tpu.memref_slice %arg13[%dma_start3A_196] : memref<2560xi32, #tpu.memory_space<vmem>> -> memref<128xi32, #tpu.memory_space<vmem>>
    %dma_start3A_198 = arith.constant 0 : i32
    %dma_start3A_199 = tpu.memref_slice %arg2[%dma_start3A_198] : memref<1048576xf32, #tpu.memory_space<hbm>> -> memref<1048576xf32, #tpu.memory_space<hbm>>
    tpu.enqueue_indirect_dma source(%dma_start3A_199 : memref<1048576xf32, #tpu.memory_space<hbm>>) target(%dma_start3A_195 : memref<128xf32, #tpu.memory_space<vmem>>) offsets(%dma_start3A_197 : memref<128xi32, #tpu.memory_space<vmem>>) semaphore(%arg25 : memref<!tpu.dma_semaphore, #tpu.memory_space<semaphore_mem>>)
    %dma_wait3A_200 = arith.constant 0 : i32
    %dma_wait3A_201 = tpu.memref_slice %arg14[%dma_wait3A_200] : memref<512xf32, #tpu.memory_space<vmem>> -> memref<128xf32, #tpu.memory_space<vmem>>
    %dma_wait3A_202 = arith.constant 0 : i32
    %dma_wait3A_203 = tpu.memref_slice %arg12[%dma_wait3A_202] : memref<512xi32, #tpu.memory_space<vmem>> -> memref<128xi32, #tpu.memory_space<vmem>>
    %dma_wait3A_204 = arith.constant 0 : i32
    %dma_wait3A_205 = tpu.memref_slice %arg2[%dma_wait3A_204] : memref<1048576xf32, #tpu.memory_space<hbm>> -> memref<1048576xf32, #tpu.memory_space<hbm>>
    tpu.wait_indirect_dma semaphore(%arg20 : memref<!tpu.dma_semaphore, #tpu.memory_space<semaphore_mem>>) src(%dma_wait3A_205 : memref<1048576xf32, #tpu.memory_space<hbm>>) dst(%dma_wait3A_201 : memref<128xf32, #tpu.memory_space<vmem>>)
    %dma_wait3A_206 = arith.constant 128 : i32
    %dma_wait3A_207 = tpu.memref_slice %arg14[%dma_wait3A_206] : memref<512xf32, #tpu.memory_space<vmem>> -> memref<128xf32, #tpu.memory_space<vmem>>
    %dma_wait3A_208 = arith.constant 128 : i32
    %dma_wait3A_209 = tpu.memref_slice %arg12[%dma_wait3A_208] : memref<512xi32, #tpu.memory_space<vmem>> -> memref<128xi32, #tpu.memory_space<vmem>>
    %dma_wait3A_210 = arith.constant 0 : i32
    %dma_wait3A_211 = tpu.memref_slice %arg2[%dma_wait3A_210] : memref<1048576xf32, #tpu.memory_space<hbm>> -> memref<1048576xf32, #tpu.memory_space<hbm>>
    tpu.wait_indirect_dma semaphore(%arg20 : memref<!tpu.dma_semaphore, #tpu.memory_space<semaphore_mem>>) src(%dma_wait3A_211 : memref<1048576xf32, #tpu.memory_space<hbm>>) dst(%dma_wait3A_207 : memref<128xf32, #tpu.memory_space<vmem>>)
    %dma_wait3A_212 = arith.constant 256 : i32
    %dma_wait3A_213 = tpu.memref_slice %arg14[%dma_wait3A_212] : memref<512xf32, #tpu.memory_space<vmem>> -> memref<128xf32, #tpu.memory_space<vmem>>
    %dma_wait3A_214 = arith.constant 256 : i32
    %dma_wait3A_215 = tpu.memref_slice %arg12[%dma_wait3A_214] : memref<512xi32, #tpu.memory_space<vmem>> -> memref<128xi32, #tpu.memory_space<vmem>>
    %dma_wait3A_216 = arith.constant 0 : i32
    %dma_wait3A_217 = tpu.memref_slice %arg2[%dma_wait3A_216] : memref<1048576xf32, #tpu.memory_space<hbm>> -> memref<1048576xf32, #tpu.memory_space<hbm>>
    tpu.wait_indirect_dma semaphore(%arg20 : memref<!tpu.dma_semaphore, #tpu.memory_space<semaphore_mem>>) src(%dma_wait3A_217 : memref<1048576xf32, #tpu.memory_space<hbm>>) dst(%dma_wait3A_213 : memref<128xf32, #tpu.memory_space<vmem>>)
    %dma_wait3A_218 = arith.constant 384 : i32
    %dma_wait3A_219 = tpu.memref_slice %arg14[%dma_wait3A_218] : memref<512xf32, #tpu.memory_space<vmem>> -> memref<128xf32, #tpu.memory_space<vmem>>
    %dma_wait3A_220 = arith.constant 384 : i32
    %dma_wait3A_221 = tpu.memref_slice %arg12[%dma_wait3A_220] : memref<512xi32, #tpu.memory_space<vmem>> -> memref<128xi32, #tpu.memory_space<vmem>>
    %dma_wait3A_222 = arith.constant 0 : i32
    %dma_wait3A_223 = tpu.memref_slice %arg2[%dma_wait3A_222] : memref<1048576xf32, #tpu.memory_space<hbm>> -> memref<1048576xf32, #tpu.memory_space<hbm>>
    tpu.wait_indirect_dma semaphore(%arg20 : memref<!tpu.dma_semaphore, #tpu.memory_space<semaphore_mem>>) src(%dma_wait3A_223 : memref<1048576xf32, #tpu.memory_space<hbm>>) dst(%dma_wait3A_219 : memref<128xf32, #tpu.memory_space<vmem>>)
    %broadcast_in_dim3A = arith.constant 0.000000e+00 : f32
    %broadcast_in_dim3A_224 = vector.broadcast %broadcast_in_dim3A : f32 to vector<16xf32>
    %scan3A_225 = arith.constant 0 : i32
    %scan3A_226 = arith.constant 32 : i32
    %scan3A_227 = arith.addi %scan3A_225, %scan3A_226 : i32
    %scan3A_228 = arith.constant 1 : i32
    %scan3A_229 = scf.for %scan3A_434 = %scan3A_225 to %scan3A_227 step %scan3A_228 iter_args(%scan3A_435 = %broadcast_in_dim3A_224) -> (vector<16xf32>)  : i32 {
      %mul3A_436 = arith.constant 16 : i32
      %mul3A_437 = arith.muli %scan3A_434, %mul3A_436 : i32
      %get3A_438 = arith.index_cast %mul3A_437 : i32 to index
      %get3A_439 = tpu.vector_load %arg14[%get3A_438] {strides = array<i32>} : memref<512xf32, #tpu.memory_space<vmem>>, vector<16xf32>,
      %get3A_440 = vector.shape_cast %get3A_439 : vector<16xf32> to vector<16xf32>
      %abs3A = math.absf %get3A_440 : vector<16xf32>
      %neg3A = arith.constant 0.000000e+00 : f32
      %neg3A_441 = vector.broadcast %neg3A : f32 to vector<16xf32>
      %neg3A_442 = arith.subf %neg3A_441, %abs3A : vector<16xf32>
      %exp3A = math.exp %neg3A_442 : vector<16xf32>
      %add3A_443 = arith.constant 2.000000e+00 : f32
      %add3A_444 = vector.broadcast %add3A_443 : f32 to vector<16xf32>
      %add3A_445 = arith.addf %add3A_444, %exp3A : vector<16xf32>
      %div3A = arith.divf %exp3A, %add3A_445 : vector<16xf32>
      %mul3A_446 = arith.mulf %div3A, %div3A : vector<16xf32>
      %mul3A_447 = arith.constant 0.111111112 : f32
      %mul3A_448 = vector.broadcast %mul3A_447 : f32 to vector<16xf32>
      %mul3A_449 = arith.mulf %mul3A_446, %mul3A_448 : vector<16xf32>
      %add3A_450 = arith.constant 0.142857149 : f32
      %add3A_451 = vector.broadcast %add3A_450 : f32 to vector<16xf32>
      %add3A_452 = arith.addf %add3A_451, %mul3A_449 : vector<16xf32>
      %mul3A_453 = arith.mulf %mul3A_446, %add3A_452 : vector<16xf32>
      %add3A_454 = arith.constant 2.000000e-01 : f32
      %add3A_455 = vector.broadcast %add3A_454 : f32 to vector<16xf32>
      %add3A_456 = arith.addf %add3A_455, %mul3A_453 : vector<16xf32>
      %mul3A_457 = arith.mulf %mul3A_446, %add3A_456 : vector<16xf32>
      %add3A_458 = arith.constant 0.333333343 : f32
      %add3A_459 = vector.broadcast %add3A_458 : f32 to vector<16xf32>
      %add3A_460 = arith.addf %add3A_459, %mul3A_457 : vector<16xf32>
      %mul3A_461 = arith.mulf %mul3A_446, %add3A_460 : vector<16xf32>
      %add3A_462 = arith.constant 1.000000e+00 : f32
      %add3A_463 = vector.broadcast %add3A_462 : f32 to vector<16xf32>
      %add3A_464 = arith.addf %add3A_463, %mul3A_461 : vector<16xf32>
      %min3A = arith.constant 0.000000e+00 : f32
      %min3A_465 = vector.broadcast %min3A : f32 to vector<16xf32>
      %min3A_466 = arith.minimumf %get3A_440, %min3A_465 : vector<16xf32>
      %mul3A_467 = arith.constant 2.000000e+00 : f32
      %mul3A_468 = vector.broadcast %mul3A_467 : f32 to vector<16xf32>
      %mul3A_469 = arith.mulf %mul3A_468, %div3A : vector<16xf32>
      %mul3A_470 = arith.mulf %mul3A_469, %add3A_464 : vector<16xf32>
      %sub3A = arith.subf %min3A_466, %mul3A_470 : vector<16xf32>
      %add3A_471 = arith.addf %scan3A_435, %sub3A : vector<16xf32>
      scf.yield %add3A_471 : vector<16xf32>
    }
    %scan3A_230 = arith.constant 32 : i32
    tpu.wait_dma2 semaphore(%arg19 : memref<!tpu.dma_semaphore, #tpu.memory_space<semaphore_mem>>) src(%arg6 : memref<16xi32, #tpu.memory_space<hbm>>) dst(%arg11 : memref<16xi32, #tpu.memory_space<vmem>>)
    %get3A = arith.constant 0 : index
    %get3A_231 = tpu.vector_load %arg11[%get3A] {strides = array<i32>} : memref<16xi32, #tpu.memory_space<vmem>>, vector<16xi32>,
    %get3A_232 = vector.shape_cast %get3A_231 : vector<16xi32> to vector<16xi32>
    %dma_wait3A_233 = arith.constant 0 : i32
    %dma_wait3A_234 = tpu.memref_slice %arg15[%dma_wait3A_233] : memref<2560xf32, #tpu.memory_space<vmem>> -> memref<128xf32, #tpu.memory_space<vmem>>
    %dma_wait3A_235 = arith.constant 0 : i32
    %dma_wait3A_236 = tpu.memref_slice %arg13[%dma_wait3A_235] : memref<2560xi32, #tpu.memory_space<vmem>> -> memref<128xi32, #tpu.memory_space<vmem>>
    %dma_wait3A_237 = arith.constant 0 : i32
    %dma_wait3A_238 = tpu.memref_slice %arg2[%dma_wait3A_237] : memref<1048576xf32, #tpu.memory_space<hbm>> -> memref<1048576xf32, #tpu.memory_space<hbm>>
    tpu.wait_indirect_dma semaphore(%arg21 : memref<!tpu.dma_semaphore, #tpu.memory_space<semaphore_mem>>) src(%dma_wait3A_238 : memref<1048576xf32, #tpu.memory_space<hbm>>) dst(%dma_wait3A_234 : memref<128xf32, #tpu.memory_space<vmem>>)
    %dma_wait3A_239 = arith.constant 128 : i32
    %dma_wait3A_240 = tpu.memref_slice %arg15[%dma_wait3A_239] : memref<2560xf32, #tpu.memory_space<vmem>> -> memref<128xf32, #tpu.memory_space<vmem>>
    %dma_wait3A_241 = arith.constant 128 : i32
    %dma_wait3A_242 = tpu.memref_slice %arg13[%dma_wait3A_241] : memref<2560xi32, #tpu.memory_space<vmem>> -> memref<128xi32, #tpu.memory_space<vmem>>
    %dma_wait3A_243 = arith.constant 0 : i32
    %dma_wait3A_244 = tpu.memref_slice %arg2[%dma_wait3A_243] : memref<1048576xf32, #tpu.memory_space<hbm>> -> memref<1048576xf32, #tpu.memory_space<hbm>>
    tpu.wait_indirect_dma semaphore(%arg21 : memref<!tpu.dma_semaphore, #tpu.memory_space<semaphore_mem>>) src(%dma_wait3A_244 : memref<1048576xf32, #tpu.memory_space<hbm>>) dst(%dma_wait3A_240 : memref<128xf32, #tpu.memory_space<vmem>>)
    %dma_wait3A_245 = arith.constant 256 : i32
    %dma_wait3A_246 = tpu.memref_slice %arg15[%dma_wait3A_245] : memref<2560xf32, #tpu.memory_space<vmem>> -> memref<128xf32, #tpu.memory_space<vmem>>
    %dma_wait3A_247 = arith.constant 256 : i32
    %dma_wait3A_248 = tpu.memref_slice %arg13[%dma_wait3A_247] : memref<2560xi32, #tpu.memory_space<vmem>> -> memref<128xi32, #tpu.memory_space<vmem>>
    %dma_wait3A_249 = arith.constant 0 : i32
    %dma_wait3A_250 = tpu.memref_slice %arg2[%dma_wait3A_249] : memref<1048576xf32, #tpu.memory_space<hbm>> -> memref<1048576xf32, #tpu.memory_space<hbm>>
    tpu.wait_indirect_dma semaphore(%arg21 : memref<!tpu.dma_semaphore, #tpu.memory_space<semaphore_mem>>) src(%dma_wait3A_250 : memref<1048576xf32, #tpu.memory_space<hbm>>) dst(%dma_wait3A_246 : memref<128xf32, #tpu.memory_space<vmem>>)
    %dma_wait3A_251 = arith.constant 384 : i32
    %dma_wait3A_252 = tpu.memref_slice %arg15[%dma_wait3A_251] : memref<2560xf32, #tpu.memory_space<vmem>> -> memref<128xf32, #tpu.memory_space<vmem>>
    %dma_wait3A_253 = arith.constant 384 : i32
    %dma_wait3A_254 = tpu.memref_slice %arg13[%dma_wait3A_253] : memref<2560xi32, #tpu.memory_space<vmem>> -> memref<128xi32, #tpu.memory_space<vmem>>
    %dma_wait3A_255 = arith.constant 0 : i32
    %dma_wait3A_256 = tpu.memref_slice %arg2[%dma_wait3A_255] : memref<1048576xf32, #tpu.memory_space<hbm>> -> memref<1048576xf32, #tpu.memory_space<hbm>>
    tpu.wait_indirect_dma semaphore(%arg21 : memref<!tpu.dma_semaphore, #tpu.memory_space<semaphore_mem>>) src(%dma_wait3A_256 : memref<1048576xf32, #tpu.memory_space<hbm>>) dst(%dma_wait3A_252 : memref<128xf32, #tpu.memory_space<vmem>>)
    %broadcast_in_dim3A_257 = arith.constant 0.000000e+00 : f32
    %broadcast_in_dim3A_258 = vector.broadcast %broadcast_in_dim3A_257 : f32 to vector<16xf32>
    %scan3A_259 = arith.constant 0 : i32
    %scan3A_260 = arith.constant 32 : i32
    %scan3A_261 = arith.addi %scan3A_259, %scan3A_260 : i32
    %scan3A_262 = arith.constant 1 : i32
    %scan3A_263 = scf.for %scan3A_434 = %scan3A_259 to %scan3A_261 step %scan3A_262 iter_args(%scan3A_435 = %broadcast_in_dim3A_258) -> (vector<16xf32>)  : i32 {
      %mul3A_436 = arith.constant 16 : i32
      %mul3A_437 = arith.muli %scan3A_434, %mul3A_436 : i32
      %add3A_438 = arith.constant 0 : i32
      %add3A_439 = arith.addi %add3A_438, %mul3A_437 : i32
      %get3A_440 = arith.index_cast %add3A_439 : i32 to index
      %get3A_441 = tpu.vector_load %arg15[%get3A_440] {strides = array<i32>} : memref<2560xf32, #tpu.memory_space<vmem>>, vector<16xf32>,
      %get3A_442 = vector.shape_cast %get3A_441 : vector<16xf32> to vector<16xf32>
      %neg3A = arith.constant 0.000000e+00 : f32
      %neg3A_443 = vector.broadcast %neg3A : f32 to vector<16xf32>
      %neg3A_444 = arith.subf %neg3A_443, %get3A_442 : vector<16xf32>
      %abs3A = math.absf %neg3A_444 : vector<16xf32>
      %neg3A_445 = arith.constant 0.000000e+00 : f32
      %neg3A_446 = vector.broadcast %neg3A_445 : f32 to vector<16xf32>
      %neg3A_447 = arith.subf %neg3A_446, %abs3A : vector<16xf32>
      %exp3A = math.exp %neg3A_447 : vector<16xf32>
      %add3A_448 = arith.constant 2.000000e+00 : f32
      %add3A_449 = vector.broadcast %add3A_448 : f32 to vector<16xf32>
      %add3A_450 = arith.addf %add3A_449, %exp3A : vector<16xf32>
      %div3A = arith.divf %exp3A, %add3A_450 : vector<16xf32>
      %mul3A_451 = arith.mulf %div3A, %div3A : vector<16xf32>
      %mul3A_452 = arith.constant 0.111111112 : f32
      %mul3A_453 = vector.broadcast %mul3A_452 : f32 to vector<16xf32>
      %mul3A_454 = arith.mulf %mul3A_451, %mul3A_453 : vector<16xf32>
      %add3A_455 = arith.constant 0.142857149 : f32
      %add3A_456 = vector.broadcast %add3A_455 : f32 to vector<16xf32>
      %add3A_457 = arith.addf %add3A_456, %mul3A_454 : vector<16xf32>
      %mul3A_458 = arith.mulf %mul3A_451, %add3A_457 : vector<16xf32>
      %add3A_459 = arith.constant 2.000000e-01 : f32
      %add3A_460 = vector.broadcast %add3A_459 : f32 to vector<16xf32>
      %add3A_461 = arith.addf %add3A_460, %mul3A_458 : vector<16xf32>
      %mul3A_462 = arith.mulf %mul3A_451, %add3A_461 : vector<16xf32>
      %add3A_463 = arith.constant 0.333333343 : f32
      %add3A_464 = vector.broadcast %add3A_463 : f32 to vector<16xf32>
      %add3A_465 = arith.addf %add3A_464, %mul3A_462 : vector<16xf32>
      %mul3A_466 = arith.mulf %mul3A_451, %add3A_465 : vector<16xf32>
      %add3A_467 = arith.constant 1.000000e+00 : f32
      %add3A_468 = vector.broadcast %add3A_467 : f32 to vector<16xf32>
      %add3A_469 = arith.addf %add3A_468, %mul3A_466 : vector<16xf32>
      %min3A = arith.constant 0.000000e+00 : f32
      %min3A_470 = vector.broadcast %min3A : f32 to vector<16xf32>
      %min3A_471 = arith.minimumf %neg3A_444, %min3A_470 : vector<16xf32>
      %mul3A_472 = arith.constant 2.000000e+00 : f32
      %mul3A_473 = vector.broadcast %mul3A_472 : f32 to vector<16xf32>
      %mul3A_474 = arith.mulf %mul3A_473, %div3A : vector<16xf32>
      %mul3A_475 = arith.mulf %mul3A_474, %add3A_469 : vector<16xf32>
      %sub3A = arith.subf %min3A_471, %mul3A_475 : vector<16xf32>
      %add3A_476 = arith.addf %scan3A_435, %sub3A : vector<16xf32>
      scf.yield %add3A_476 : vector<16xf32>
    }
    %scan3A_264 = arith.constant 32 : i32
    %gt3A = arith.constant 0 : i32
    %gt3A_265 = vector.broadcast %gt3A : i32 to vector<16xi32>
    %gt3A_266 = arith.cmpi sgt, %get3A_232, %gt3A_265 : vector<16xi32>
    %broadcast_in_dim3A_267 = arith.constant 0.000000e+00 : f32
    %broadcast_in_dim3A_268 = vector.broadcast %broadcast_in_dim3A_267 : f32 to vector<16xf32>
    %select_n3A = arith.select %gt3A_266, %scan3A_263, %broadcast_in_dim3A_268 : vector<16xi1>, vector<16xf32>
    %add3A_269 = arith.addf %scan3A_229, %select_n3A : vector<16xf32>
    %dma_wait3A_270 = arith.constant 512 : i32
    %dma_wait3A_271 = tpu.memref_slice %arg15[%dma_wait3A_270] : memref<2560xf32, #tpu.memory_space<vmem>> -> memref<128xf32, #tpu.memory_space<vmem>>
    %dma_wait3A_272 = arith.constant 512 : i32
    %dma_wait3A_273 = tpu.memref_slice %arg13[%dma_wait3A_272] : memref<2560xi32, #tpu.memory_space<vmem>> -> memref<128xi32, #tpu.memory_space<vmem>>
    %dma_wait3A_274 = arith.constant 0 : i32
    %dma_wait3A_275 = tpu.memref_slice %arg2[%dma_wait3A_274] : memref<1048576xf32, #tpu.memory_space<hbm>> -> memref<1048576xf32, #tpu.memory_space<hbm>>
    tpu.wait_indirect_dma semaphore(%arg22 : memref<!tpu.dma_semaphore, #tpu.memory_space<semaphore_mem>>) src(%dma_wait3A_275 : memref<1048576xf32, #tpu.memory_space<hbm>>) dst(%dma_wait3A_271 : memref<128xf32, #tpu.memory_space<vmem>>)
    %dma_wait3A_276 = arith.constant 640 : i32
    %dma_wait3A_277 = tpu.memref_slice %arg15[%dma_wait3A_276] : memref<2560xf32, #tpu.memory_space<vmem>> -> memref<128xf32, #tpu.memory_space<vmem>>
    %dma_wait3A_278 = arith.constant 640 : i32
    %dma_wait3A_279 = tpu.memref_slice %arg13[%dma_wait3A_278] : memref<2560xi32, #tpu.memory_space<vmem>> -> memref<128xi32, #tpu.memory_space<vmem>>
    %dma_wait3A_280 = arith.constant 0 : i32
    %dma_wait3A_281 = tpu.memref_slice %arg2[%dma_wait3A_280] : memref<1048576xf32, #tpu.memory_space<hbm>> -> memref<1048576xf32, #tpu.memory_space<hbm>>
    tpu.wait_indirect_dma semaphore(%arg22 : memref<!tpu.dma_semaphore, #tpu.memory_space<semaphore_mem>>) src(%dma_wait3A_281 : memref<1048576xf32, #tpu.memory_space<hbm>>) dst(%dma_wait3A_277 : memref<128xf32, #tpu.memory_space<vmem>>)
    %dma_wait3A_282 = arith.constant 768 : i32
    %dma_wait3A_283 = tpu.memref_slice %arg15[%dma_wait3A_282] : memref<2560xf32, #tpu.memory_space<vmem>> -> memref<128xf32, #tpu.memory_space<vmem>>
    %dma_wait3A_284 = arith.constant 768 : i32
    %dma_wait3A_285 = tpu.memref_slice %arg13[%dma_wait3A_284] : memref<2560xi32, #tpu.memory_space<vmem>> -> memref<128xi32, #tpu.memory_space<vmem>>
    %dma_wait3A_286 = arith.constant 0 : i32
    %dma_wait3A_287 = tpu.memref_slice %arg2[%dma_wait3A_286] : memref<1048576xf32, #tpu.memory_space<hbm>> -> memref<1048576xf32, #tpu.memory_space<hbm>>
    tpu.wait_indirect_dma semaphore(%arg22 : memref<!tpu.dma_semaphore, #tpu.memory_space<semaphore_mem>>) src(%dma_wait3A_287 : memref<1048576xf32, #tpu.memory_space<hbm>>) dst(%dma_wait3A_283 : memref<128xf32, #tpu.memory_space<vmem>>)
    %dma_wait3A_288 = arith.constant 896 : i32
    %dma_wait3A_289 = tpu.memref_slice %arg15[%dma_wait3A_288] : memref<2560xf32, #tpu.memory_space<vmem>> -> memref<128xf32, #tpu.memory_space<vmem>>
    %dma_wait3A_290 = arith.constant 896 : i32
    %dma_wait3A_291 = tpu.memref_slice %arg13[%dma_wait3A_290] : memref<2560xi32, #tpu.memory_space<vmem>> -> memref<128xi32, #tpu.memory_space<vmem>>
    %dma_wait3A_292 = arith.constant 0 : i32
    %dma_wait3A_293 = tpu.memref_slice %arg2[%dma_wait3A_292] : memref<1048576xf32, #tpu.memory_space<hbm>> -> memref<1048576xf32, #tpu.memory_space<hbm>>
    tpu.wait_indirect_dma semaphore(%arg22 : memref<!tpu.dma_semaphore, #tpu.memory_space<semaphore_mem>>) src(%dma_wait3A_293 : memref<1048576xf32, #tpu.memory_space<hbm>>) dst(%dma_wait3A_289 : memref<128xf32, #tpu.memory_space<vmem>>)
    %broadcast_in_dim3A_294 = arith.constant 0.000000e+00 : f32
    %broadcast_in_dim3A_295 = vector.broadcast %broadcast_in_dim3A_294 : f32 to vector<16xf32>
    %scan3A_296 = arith.constant 0 : i32
    %scan3A_297 = arith.constant 32 : i32
    %scan3A_298 = arith.addi %scan3A_296, %scan3A_297 : i32
    %scan3A_299 = arith.constant 1 : i32
    %scan3A_300 = scf.for %scan3A_434 = %scan3A_296 to %scan3A_298 step %scan3A_299 iter_args(%scan3A_435 = %broadcast_in_dim3A_295) -> (vector<16xf32>)  : i32 {
      %mul3A_436 = arith.constant 16 : i32
      %mul3A_437 = arith.muli %scan3A_434, %mul3A_436 : i32
      %add3A_438 = arith.constant 512 : i32
      %add3A_439 = arith.addi %add3A_438, %mul3A_437 : i32
      %get3A_440 = arith.index_cast %add3A_439 : i32 to index
      %get3A_441 = tpu.vector_load %arg15[%get3A_440] {strides = array<i32>} : memref<2560xf32, #tpu.memory_space<vmem>>, vector<16xf32>,
      %get3A_442 = vector.shape_cast %get3A_441 : vector<16xf32> to vector<16xf32>
      %neg3A = arith.constant 0.000000e+00 : f32
      %neg3A_443 = vector.broadcast %neg3A : f32 to vector<16xf32>
      %neg3A_444 = arith.subf %neg3A_443, %get3A_442 : vector<16xf32>
      %abs3A = math.absf %neg3A_444 : vector<16xf32>
      %neg3A_445 = arith.constant 0.000000e+00 : f32
      %neg3A_446 = vector.broadcast %neg3A_445 : f32 to vector<16xf32>
      %neg3A_447 = arith.subf %neg3A_446, %abs3A : vector<16xf32>
      %exp3A = math.exp %neg3A_447 : vector<16xf32>
      %add3A_448 = arith.constant 2.000000e+00 : f32
      %add3A_449 = vector.broadcast %add3A_448 : f32 to vector<16xf32>
      %add3A_450 = arith.addf %add3A_449, %exp3A : vector<16xf32>
      %div3A = arith.divf %exp3A, %add3A_450 : vector<16xf32>
      %mul3A_451 = arith.mulf %div3A, %div3A : vector<16xf32>
      %mul3A_452 = arith.constant 0.111111112 : f32
      %mul3A_453 = vector.broadcast %mul3A_452 : f32 to vector<16xf32>
      %mul3A_454 = arith.mulf %mul3A_451, %mul3A_453 : vector<16xf32>
      %add3A_455 = arith.constant 0.142857149 : f32
      %add3A_456 = vector.broadcast %add3A_455 : f32 to vector<16xf32>
      %add3A_457 = arith.addf %add3A_456, %mul3A_454 : vector<16xf32>
      %mul3A_458 = arith.mulf %mul3A_451, %add3A_457 : vector<16xf32>
      %add3A_459 = arith.constant 2.000000e-01 : f32
      %add3A_460 = vector.broadcast %add3A_459 : f32 to vector<16xf32>
      %add3A_461 = arith.addf %add3A_460, %mul3A_458 : vector<16xf32>
      %mul3A_462 = arith.mulf %mul3A_451, %add3A_461 : vector<16xf32>
      %add3A_463 = arith.constant 0.333333343 : f32
      %add3A_464 = vector.broadcast %add3A_463 : f32 to vector<16xf32>
      %add3A_465 = arith.addf %add3A_464, %mul3A_462 : vector<16xf32>
      %mul3A_466 = arith.mulf %mul3A_451, %add3A_465 : vector<16xf32>
      %add3A_467 = arith.constant 1.000000e+00 : f32
      %add3A_468 = vector.broadcast %add3A_467 : f32 to vector<16xf32>
      %add3A_469 = arith.addf %add3A_468, %mul3A_466 : vector<16xf32>
      %min3A = arith.constant 0.000000e+00 : f32
      %min3A_470 = vector.broadcast %min3A : f32 to vector<16xf32>
      %min3A_471 = arith.minimumf %neg3A_444, %min3A_470 : vector<16xf32>
      %mul3A_472 = arith.constant 2.000000e+00 : f32
      %mul3A_473 = vector.broadcast %mul3A_472 : f32 to vector<16xf32>
      %mul3A_474 = arith.mulf %mul3A_473, %div3A : vector<16xf32>
      %mul3A_475 = arith.mulf %mul3A_474, %add3A_469 : vector<16xf32>
      %sub3A = arith.subf %min3A_471, %mul3A_475 : vector<16xf32>
      %add3A_476 = arith.addf %scan3A_435, %sub3A : vector<16xf32>
      scf.yield %add3A_476 : vector<16xf32>
    }
    %scan3A_301 = arith.constant 32 : i32
    %gt3A_302 = arith.constant 1 : i32
    %gt3A_303 = vector.broadcast %gt3A_302 : i32 to vector<16xi32>
    %gt3A_304 = arith.cmpi sgt, %get3A_232, %gt3A_303 : vector<16xi32>
    %broadcast_in_dim3A_305 = arith.constant 0.000000e+00 : f32
    %broadcast_in_dim3A_306 = vector.broadcast %broadcast_in_dim3A_305 : f32 to vector<16xf32>
    %select_n3A_307 = arith.select %gt3A_304, %scan3A_300, %broadcast_in_dim3A_306 : vector<16xi1>, vector<16xf32>
    %add3A_308 = arith.addf %add3A_269, %select_n3A_307 : vector<16xf32>
    %dma_wait3A_309 = arith.constant 1024 : i32
    %dma_wait3A_310 = tpu.memref_slice %arg15[%dma_wait3A_309] : memref<2560xf32, #tpu.memory_space<vmem>> -> memref<128xf32, #tpu.memory_space<vmem>>
    %dma_wait3A_311 = arith.constant 1024 : i32
    %dma_wait3A_312 = tpu.memref_slice %arg13[%dma_wait3A_311] : memref<2560xi32, #tpu.memory_space<vmem>> -> memref<128xi32, #tpu.memory_space<vmem>>
    %dma_wait3A_313 = arith.constant 0 : i32
    %dma_wait3A_314 = tpu.memref_slice %arg2[%dma_wait3A_313] : memref<1048576xf32, #tpu.memory_space<hbm>> -> memref<1048576xf32, #tpu.memory_space<hbm>>
    tpu.wait_indirect_dma semaphore(%arg23 : memref<!tpu.dma_semaphore, #tpu.memory_space<semaphore_mem>>) src(%dma_wait3A_314 : memref<1048576xf32, #tpu.memory_space<hbm>>) dst(%dma_wait3A_310 : memref<128xf32, #tpu.memory_space<vmem>>)
    %dma_wait3A_315 = arith.constant 1152 : i32
    %dma_wait3A_316 = tpu.memref_slice %arg15[%dma_wait3A_315] : memref<2560xf32, #tpu.memory_space<vmem>> -> memref<128xf32, #tpu.memory_space<vmem>>
    %dma_wait3A_317 = arith.constant 1152 : i32
    %dma_wait3A_318 = tpu.memref_slice %arg13[%dma_wait3A_317] : memref<2560xi32, #tpu.memory_space<vmem>> -> memref<128xi32, #tpu.memory_space<vmem>>
    %dma_wait3A_319 = arith.constant 0 : i32
    %dma_wait3A_320 = tpu.memref_slice %arg2[%dma_wait3A_319] : memref<1048576xf32, #tpu.memory_space<hbm>> -> memref<1048576xf32, #tpu.memory_space<hbm>>
    tpu.wait_indirect_dma semaphore(%arg23 : memref<!tpu.dma_semaphore, #tpu.memory_space<semaphore_mem>>) src(%dma_wait3A_320 : memref<1048576xf32, #tpu.memory_space<hbm>>) dst(%dma_wait3A_316 : memref<128xf32, #tpu.memory_space<vmem>>)
    %dma_wait3A_321 = arith.constant 1280 : i32
    %dma_wait3A_322 = tpu.memref_slice %arg15[%dma_wait3A_321] : memref<2560xf32, #tpu.memory_space<vmem>> -> memref<128xf32, #tpu.memory_space<vmem>>
    %dma_wait3A_323 = arith.constant 1280 : i32
    %dma_wait3A_324 = tpu.memref_slice %arg13[%dma_wait3A_323] : memref<2560xi32, #tpu.memory_space<vmem>> -> memref<128xi32, #tpu.memory_space<vmem>>
    %dma_wait3A_325 = arith.constant 0 : i32
    %dma_wait3A_326 = tpu.memref_slice %arg2[%dma_wait3A_325] : memref<1048576xf32, #tpu.memory_space<hbm>> -> memref<1048576xf32, #tpu.memory_space<hbm>>
    tpu.wait_indirect_dma semaphore(%arg23 : memref<!tpu.dma_semaphore, #tpu.memory_space<semaphore_mem>>) src(%dma_wait3A_326 : memref<1048576xf32, #tpu.memory_space<hbm>>) dst(%dma_wait3A_322 : memref<128xf32, #tpu.memory_space<vmem>>)
    %dma_wait3A_327 = arith.constant 1408 : i32
    %dma_wait3A_328 = tpu.memref_slice %arg15[%dma_wait3A_327] : memref<2560xf32, #tpu.memory_space<vmem>> -> memref<128xf32, #tpu.memory_space<vmem>>
    %dma_wait3A_329 = arith.constant 1408 : i32
    %dma_wait3A_330 = tpu.memref_slice %arg13[%dma_wait3A_329] : memref<2560xi32, #tpu.memory_space<vmem>> -> memref<128xi32, #tpu.memory_space<vmem>>
    %dma_wait3A_331 = arith.constant 0 : i32
    %dma_wait3A_332 = tpu.memref_slice %arg2[%dma_wait3A_331] : memref<1048576xf32, #tpu.memory_space<hbm>> -> memref<1048576xf32, #tpu.memory_space<hbm>>
    tpu.wait_indirect_dma semaphore(%arg23 : memref<!tpu.dma_semaphore, #tpu.memory_space<semaphore_mem>>) src(%dma_wait3A_332 : memref<1048576xf32, #tpu.memory_space<hbm>>) dst(%dma_wait3A_328 : memref<128xf32, #tpu.memory_space<vmem>>)
    %broadcast_in_dim3A_333 = arith.constant 0.000000e+00 : f32
    %broadcast_in_dim3A_334 = vector.broadcast %broadcast_in_dim3A_333 : f32 to vector<16xf32>
    %scan3A_335 = arith.constant 0 : i32
    %scan3A_336 = arith.constant 32 : i32
    %scan3A_337 = arith.addi %scan3A_335, %scan3A_336 : i32
    %scan3A_338 = arith.constant 1 : i32
    %scan3A_339 = scf.for %scan3A_434 = %scan3A_335 to %scan3A_337 step %scan3A_338 iter_args(%scan3A_435 = %broadcast_in_dim3A_334) -> (vector<16xf32>)  : i32 {
      %mul3A_436 = arith.constant 16 : i32
      %mul3A_437 = arith.muli %scan3A_434, %mul3A_436 : i32
      %add3A_438 = arith.constant 1024 : i32
      %add3A_439 = arith.addi %add3A_438, %mul3A_437 : i32
      %get3A_440 = arith.index_cast %add3A_439 : i32 to index
      %get3A_441 = tpu.vector_load %arg15[%get3A_440] {strides = array<i32>} : memref<2560xf32, #tpu.memory_space<vmem>>, vector<16xf32>,
      %get3A_442 = vector.shape_cast %get3A_441 : vector<16xf32> to vector<16xf32>
      %neg3A = arith.constant 0.000000e+00 : f32
      %neg3A_443 = vector.broadcast %neg3A : f32 to vector<16xf32>
      %neg3A_444 = arith.subf %neg3A_443, %get3A_442 : vector<16xf32>
      %abs3A = math.absf %neg3A_444 : vector<16xf32>
      %neg3A_445 = arith.constant 0.000000e+00 : f32
      %neg3A_446 = vector.broadcast %neg3A_445 : f32 to vector<16xf32>
      %neg3A_447 = arith.subf %neg3A_446, %abs3A : vector<16xf32>
      %exp3A = math.exp %neg3A_447 : vector<16xf32>
      %add3A_448 = arith.constant 2.000000e+00 : f32
      %add3A_449 = vector.broadcast %add3A_448 : f32 to vector<16xf32>
      %add3A_450 = arith.addf %add3A_449, %exp3A : vector<16xf32>
      %div3A = arith.divf %exp3A, %add3A_450 : vector<16xf32>
      %mul3A_451 = arith.mulf %div3A, %div3A : vector<16xf32>
      %mul3A_452 = arith.constant 0.111111112 : f32
      %mul3A_453 = vector.broadcast %mul3A_452 : f32 to vector<16xf32>
      %mul3A_454 = arith.mulf %mul3A_451, %mul3A_453 : vector<16xf32>
      %add3A_455 = arith.constant 0.142857149 : f32
      %add3A_456 = vector.broadcast %add3A_455 : f32 to vector<16xf32>
      %add3A_457 = arith.addf %add3A_456, %mul3A_454 : vector<16xf32>
      %mul3A_458 = arith.mulf %mul3A_451, %add3A_457 : vector<16xf32>
      %add3A_459 = arith.constant 2.000000e-01 : f32
      %add3A_460 = vector.broadcast %add3A_459 : f32 to vector<16xf32>
      %add3A_461 = arith.addf %add3A_460, %mul3A_458 : vector<16xf32>
      %mul3A_462 = arith.mulf %mul3A_451, %add3A_461 : vector<16xf32>
      %add3A_463 = arith.constant 0.333333343 : f32
      %add3A_464 = vector.broadcast %add3A_463 : f32 to vector<16xf32>
      %add3A_465 = arith.addf %add3A_464, %mul3A_462 : vector<16xf32>
      %mul3A_466 = arith.mulf %mul3A_451, %add3A_465 : vector<16xf32>
      %add3A_467 = arith.constant 1.000000e+00 : f32
      %add3A_468 = vector.broadcast %add3A_467 : f32 to vector<16xf32>
      %add3A_469 = arith.addf %add3A_468, %mul3A_466 : vector<16xf32>
      %min3A = arith.constant 0.000000e+00 : f32
      %min3A_470 = vector.broadcast %min3A : f32 to vector<16xf32>
      %min3A_471 = arith.minimumf %neg3A_444, %min3A_470 : vector<16xf32>
      %mul3A_472 = arith.constant 2.000000e+00 : f32
      %mul3A_473 = vector.broadcast %mul3A_472 : f32 to vector<16xf32>
      %mul3A_474 = arith.mulf %mul3A_473, %div3A : vector<16xf32>
      %mul3A_475 = arith.mulf %mul3A_474, %add3A_469 : vector<16xf32>
      %sub3A = arith.subf %min3A_471, %mul3A_475 : vector<16xf32>
      %add3A_476 = arith.addf %scan3A_435, %sub3A : vector<16xf32>
      scf.yield %add3A_476 : vector<16xf32>
    }
    %scan3A_340 = arith.constant 32 : i32
    %gt3A_341 = arith.constant 2 : i32
    %gt3A_342 = vector.broadcast %gt3A_341 : i32 to vector<16xi32>
    %gt3A_343 = arith.cmpi sgt, %get3A_232, %gt3A_342 : vector<16xi32>
    %broadcast_in_dim3A_344 = arith.constant 0.000000e+00 : f32
    %broadcast_in_dim3A_345 = vector.broadcast %broadcast_in_dim3A_344 : f32 to vector<16xf32>
    %select_n3A_346 = arith.select %gt3A_343, %scan3A_339, %broadcast_in_dim3A_345 : vector<16xi1>, vector<16xf32>
    %add3A_347 = arith.addf %add3A_308, %select_n3A_346 : vector<16xf32>
    %dma_wait3A_348 = arith.constant 1536 : i32
    %dma_wait3A_349 = tpu.memref_slice %arg15[%dma_wait3A_348] : memref<2560xf32, #tpu.memory_space<vmem>> -> memref<128xf32, #tpu.memory_space<vmem>>
    %dma_wait3A_350 = arith.constant 1536 : i32
    %dma_wait3A_351 = tpu.memref_slice %arg13[%dma_wait3A_350] : memref<2560xi32, #tpu.memory_space<vmem>> -> memref<128xi32, #tpu.memory_space<vmem>>
    %dma_wait3A_352 = arith.constant 0 : i32
    %dma_wait3A_353 = tpu.memref_slice %arg2[%dma_wait3A_352] : memref<1048576xf32, #tpu.memory_space<hbm>> -> memref<1048576xf32, #tpu.memory_space<hbm>>
    tpu.wait_indirect_dma semaphore(%arg24 : memref<!tpu.dma_semaphore, #tpu.memory_space<semaphore_mem>>) src(%dma_wait3A_353 : memref<1048576xf32, #tpu.memory_space<hbm>>) dst(%dma_wait3A_349 : memref<128xf32, #tpu.memory_space<vmem>>)
    %dma_wait3A_354 = arith.constant 1664 : i32
    %dma_wait3A_355 = tpu.memref_slice %arg15[%dma_wait3A_354] : memref<2560xf32, #tpu.memory_space<vmem>> -> memref<128xf32, #tpu.memory_space<vmem>>
    %dma_wait3A_356 = arith.constant 1664 : i32
    %dma_wait3A_357 = tpu.memref_slice %arg13[%dma_wait3A_356] : memref<2560xi32, #tpu.memory_space<vmem>> -> memref<128xi32, #tpu.memory_space<vmem>>
    %dma_wait3A_358 = arith.constant 0 : i32
    %dma_wait3A_359 = tpu.memref_slice %arg2[%dma_wait3A_358] : memref<1048576xf32, #tpu.memory_space<hbm>> -> memref<1048576xf32, #tpu.memory_space<hbm>>
    tpu.wait_indirect_dma semaphore(%arg24 : memref<!tpu.dma_semaphore, #tpu.memory_space<semaphore_mem>>) src(%dma_wait3A_359 : memref<1048576xf32, #tpu.memory_space<hbm>>) dst(%dma_wait3A_355 : memref<128xf32, #tpu.memory_space<vmem>>)
    %dma_wait3A_360 = arith.constant 1792 : i32
    %dma_wait3A_361 = tpu.memref_slice %arg15[%dma_wait3A_360] : memref<2560xf32, #tpu.memory_space<vmem>> -> memref<128xf32, #tpu.memory_space<vmem>>
    %dma_wait3A_362 = arith.constant 1792 : i32
    %dma_wait3A_363 = tpu.memref_slice %arg13[%dma_wait3A_362] : memref<2560xi32, #tpu.memory_space<vmem>> -> memref<128xi32, #tpu.memory_space<vmem>>
    %dma_wait3A_364 = arith.constant 0 : i32
    %dma_wait3A_365 = tpu.memref_slice %arg2[%dma_wait3A_364] : memref<1048576xf32, #tpu.memory_space<hbm>> -> memref<1048576xf32, #tpu.memory_space<hbm>>
    tpu.wait_indirect_dma semaphore(%arg24 : memref<!tpu.dma_semaphore, #tpu.memory_space<semaphore_mem>>) src(%dma_wait3A_365 : memref<1048576xf32, #tpu.memory_space<hbm>>) dst(%dma_wait3A_361 : memref<128xf32, #tpu.memory_space<vmem>>)
    %dma_wait3A_366 = arith.constant 1920 : i32
    %dma_wait3A_367 = tpu.memref_slice %arg15[%dma_wait3A_366] : memref<2560xf32, #tpu.memory_space<vmem>> -> memref<128xf32, #tpu.memory_space<vmem>>
    %dma_wait3A_368 = arith.constant 1920 : i32
    %dma_wait3A_369 = tpu.memref_slice %arg13[%dma_wait3A_368] : memref<2560xi32, #tpu.memory_space<vmem>> -> memref<128xi32, #tpu.memory_space<vmem>>
    %dma_wait3A_370 = arith.constant 0 : i32
    %dma_wait3A_371 = tpu.memref_slice %arg2[%dma_wait3A_370] : memref<1048576xf32, #tpu.memory_space<hbm>> -> memref<1048576xf32, #tpu.memory_space<hbm>>
    tpu.wait_indirect_dma semaphore(%arg24 : memref<!tpu.dma_semaphore, #tpu.memory_space<semaphore_mem>>) src(%dma_wait3A_371 : memref<1048576xf32, #tpu.memory_space<hbm>>) dst(%dma_wait3A_367 : memref<128xf32, #tpu.memory_space<vmem>>)
    %broadcast_in_dim3A_372 = arith.constant 0.000000e+00 : f32
    %broadcast_in_dim3A_373 = vector.broadcast %broadcast_in_dim3A_372 : f32 to vector<16xf32>
    %scan3A_374 = arith.constant 0 : i32
    %scan3A_375 = arith.constant 32 : i32
    %scan3A_376 = arith.addi %scan3A_374, %scan3A_375 : i32
    %scan3A_377 = arith.constant 1 : i32
    %scan3A_378 = scf.for %scan3A_434 = %scan3A_374 to %scan3A_376 step %scan3A_377 iter_args(%scan3A_435 = %broadcast_in_dim3A_373) -> (vector<16xf32>)  : i32 {
      %mul3A_436 = arith.constant 16 : i32
      %mul3A_437 = arith.muli %scan3A_434, %mul3A_436 : i32
      %add3A_438 = arith.constant 1536 : i32
      %add3A_439 = arith.addi %add3A_438, %mul3A_437 : i32
      %get3A_440 = arith.index_cast %add3A_439 : i32 to index
      %get3A_441 = tpu.vector_load %arg15[%get3A_440] {strides = array<i32>} : memref<2560xf32, #tpu.memory_space<vmem>>, vector<16xf32>,
      %get3A_442 = vector.shape_cast %get3A_441 : vector<16xf32> to vector<16xf32>
      %neg3A = arith.constant 0.000000e+00 : f32
      %neg3A_443 = vector.broadcast %neg3A : f32 to vector<16xf32>
      %neg3A_444 = arith.subf %neg3A_443, %get3A_442 : vector<16xf32>
      %abs3A = math.absf %neg3A_444 : vector<16xf32>
      %neg3A_445 = arith.constant 0.000000e+00 : f32
      %neg3A_446 = vector.broadcast %neg3A_445 : f32 to vector<16xf32>
      %neg3A_447 = arith.subf %neg3A_446, %abs3A : vector<16xf32>
      %exp3A = math.exp %neg3A_447 : vector<16xf32>
      %add3A_448 = arith.constant 2.000000e+00 : f32
      %add3A_449 = vector.broadcast %add3A_448 : f32 to vector<16xf32>
      %add3A_450 = arith.addf %add3A_449, %exp3A : vector<16xf32>
      %div3A = arith.divf %exp3A, %add3A_450 : vector<16xf32>
      %mul3A_451 = arith.mulf %div3A, %div3A : vector<16xf32>
      %mul3A_452 = arith.constant 0.111111112 : f32
      %mul3A_453 = vector.broadcast %mul3A_452 : f32 to vector<16xf32>
      %mul3A_454 = arith.mulf %mul3A_451, %mul3A_453 : vector<16xf32>
      %add3A_455 = arith.constant 0.142857149 : f32
      %add3A_456 = vector.broadcast %add3A_455 : f32 to vector<16xf32>
      %add3A_457 = arith.addf %add3A_456, %mul3A_454 : vector<16xf32>
      %mul3A_458 = arith.mulf %mul3A_451, %add3A_457 : vector<16xf32>
      %add3A_459 = arith.constant 2.000000e-01 : f32
      %add3A_460 = vector.broadcast %add3A_459 : f32 to vector<16xf32>
      %add3A_461 = arith.addf %add3A_460, %mul3A_458 : vector<16xf32>
      %mul3A_462 = arith.mulf %mul3A_451, %add3A_461 : vector<16xf32>
      %add3A_463 = arith.constant 0.333333343 : f32
      %add3A_464 = vector.broadcast %add3A_463 : f32 to vector<16xf32>
      %add3A_465 = arith.addf %add3A_464, %mul3A_462 : vector<16xf32>
      %mul3A_466 = arith.mulf %mul3A_451, %add3A_465 : vector<16xf32>
      %add3A_467 = arith.constant 1.000000e+00 : f32
      %add3A_468 = vector.broadcast %add3A_467 : f32 to vector<16xf32>
      %add3A_469 = arith.addf %add3A_468, %mul3A_466 : vector<16xf32>
      %min3A = arith.constant 0.000000e+00 : f32
      %min3A_470 = vector.broadcast %min3A : f32 to vector<16xf32>
      %min3A_471 = arith.minimumf %neg3A_444, %min3A_470 : vector<16xf32>
      %mul3A_472 = arith.constant 2.000000e+00 : f32
      %mul3A_473 = vector.broadcast %mul3A_472 : f32 to vector<16xf32>
      %mul3A_474 = arith.mulf %mul3A_473, %div3A : vector<16xf32>
      %mul3A_475 = arith.mulf %mul3A_474, %add3A_469 : vector<16xf32>
      %sub3A = arith.subf %min3A_471, %mul3A_475 : vector<16xf32>
      %add3A_476 = arith.addf %scan3A_435, %sub3A : vector<16xf32>
      scf.yield %add3A_476 : vector<16xf32>
    }
    %scan3A_379 = arith.constant 32 : i32
    %gt3A_380 = arith.constant 3 : i32
    %gt3A_381 = vector.broadcast %gt3A_380 : i32 to vector<16xi32>
    %gt3A_382 = arith.cmpi sgt, %get3A_232, %gt3A_381 : vector<16xi32>
    %broadcast_in_dim3A_383 = arith.constant 0.000000e+00 : f32
    %broadcast_in_dim3A_384 = vector.broadcast %broadcast_in_dim3A_383 : f32 to vector<16xf32>
    %select_n3A_385 = arith.select %gt3A_382, %scan3A_378, %broadcast_in_dim3A_384 : vector<16xi1>, vector<16xf32>
    %add3A_386 = arith.addf %add3A_347, %select_n3A_385 : vector<16xf32>
    %dma_wait3A_387 = arith.constant 2048 : i32
    %dma_wait3A_388 = tpu.memref_slice %arg15[%dma_wait3A_387] : memref<2560xf32, #tpu.memory_space<vmem>> -> memref<128xf32, #tpu.memory_space<vmem>>
    %dma_wait3A_389 = arith.constant 2048 : i32
    %dma_wait3A_390 = tpu.memref_slice %arg13[%dma_wait3A_389] : memref<2560xi32, #tpu.memory_space<vmem>> -> memref<128xi32, #tpu.memory_space<vmem>>
    %dma_wait3A_391 = arith.constant 0 : i32
    %dma_wait3A_392 = tpu.memref_slice %arg2[%dma_wait3A_391] : memref<1048576xf32, #tpu.memory_space<hbm>> -> memref<1048576xf32, #tpu.memory_space<hbm>>
    tpu.wait_indirect_dma semaphore(%arg25 : memref<!tpu.dma_semaphore, #tpu.memory_space<semaphore_mem>>) src(%dma_wait3A_392 : memref<1048576xf32, #tpu.memory_space<hbm>>) dst(%dma_wait3A_388 : memref<128xf32, #tpu.memory_space<vmem>>)
    %dma_wait3A_393 = arith.constant 2176 : i32
    %dma_wait3A_394 = tpu.memref_slice %arg15[%dma_wait3A_393] : memref<2560xf32, #tpu.memory_space<vmem>> -> memref<128xf32, #tpu.memory_space<vmem>>
    %dma_wait3A_395 = arith.constant 2176 : i32
    %dma_wait3A_396 = tpu.memref_slice %arg13[%dma_wait3A_395] : memref<2560xi32, #tpu.memory_space<vmem>> -> memref<128xi32, #tpu.memory_space<vmem>>
    %dma_wait3A_397 = arith.constant 0 : i32
    %dma_wait3A_398 = tpu.memref_slice %arg2[%dma_wait3A_397] : memref<1048576xf32, #tpu.memory_space<hbm>> -> memref<1048576xf32, #tpu.memory_space<hbm>>
    tpu.wait_indirect_dma semaphore(%arg25 : memref<!tpu.dma_semaphore, #tpu.memory_space<semaphore_mem>>) src(%dma_wait3A_398 : memref<1048576xf32, #tpu.memory_space<hbm>>) dst(%dma_wait3A_394 : memref<128xf32, #tpu.memory_space<vmem>>)
    %dma_wait3A_399 = arith.constant 2304 : i32
    %dma_wait3A_400 = tpu.memref_slice %arg15[%dma_wait3A_399] : memref<2560xf32, #tpu.memory_space<vmem>> -> memref<128xf32, #tpu.memory_space<vmem>>
    %dma_wait3A_401 = arith.constant 2304 : i32
    %dma_wait3A_402 = tpu.memref_slice %arg13[%dma_wait3A_401] : memref<2560xi32, #tpu.memory_space<vmem>> -> memref<128xi32, #tpu.memory_space<vmem>>
    %dma_wait3A_403 = arith.constant 0 : i32
    %dma_wait3A_404 = tpu.memref_slice %arg2[%dma_wait3A_403] : memref<1048576xf32, #tpu.memory_space<hbm>> -> memref<1048576xf32, #tpu.memory_space<hbm>>
    tpu.wait_indirect_dma semaphore(%arg25 : memref<!tpu.dma_semaphore, #tpu.memory_space<semaphore_mem>>) src(%dma_wait3A_404 : memref<1048576xf32, #tpu.memory_space<hbm>>) dst(%dma_wait3A_400 : memref<128xf32, #tpu.memory_space<vmem>>)
    %dma_wait3A_405 = arith.constant 2432 : i32
    %dma_wait3A_406 = tpu.memref_slice %arg15[%dma_wait3A_405] : memref<2560xf32, #tpu.memory_space<vmem>> -> memref<128xf32, #tpu.memory_space<vmem>>
    %dma_wait3A_407 = arith.constant 2432 : i32
    %dma_wait3A_408 = tpu.memref_slice %arg13[%dma_wait3A_407] : memref<2560xi32, #tpu.memory_space<vmem>> -> memref<128xi32, #tpu.memory_space<vmem>>
    %dma_wait3A_409 = arith.constant 0 : i32
    %dma_wait3A_410 = tpu.memref_slice %arg2[%dma_wait3A_409] : memref<1048576xf32, #tpu.memory_space<hbm>> -> memref<1048576xf32, #tpu.memory_space<hbm>>
    tpu.wait_indirect_dma semaphore(%arg25 : memref<!tpu.dma_semaphore, #tpu.memory_space<semaphore_mem>>) src(%dma_wait3A_410 : memref<1048576xf32, #tpu.memory_space<hbm>>) dst(%dma_wait3A_406 : memref<128xf32, #tpu.memory_space<vmem>>)
    %broadcast_in_dim3A_411 = arith.constant 0.000000e+00 : f32
    %broadcast_in_dim3A_412 = vector.broadcast %broadcast_in_dim3A_411 : f32 to vector<16xf32>
    %scan3A_413 = arith.constant 0 : i32
    %scan3A_414 = arith.constant 32 : i32
    %scan3A_415 = arith.addi %scan3A_413, %scan3A_414 : i32
    %scan3A_416 = arith.constant 1 : i32
    %scan3A_417 = scf.for %scan3A_434 = %scan3A_413 to %scan3A_415 step %scan3A_416 iter_args(%scan3A_435 = %broadcast_in_dim3A_412) -> (vector<16xf32>)  : i32 {
      %mul3A_436 = arith.constant 16 : i32
      %mul3A_437 = arith.muli %scan3A_434, %mul3A_436 : i32
      %add3A_438 = arith.constant 2048 : i32
      %add3A_439 = arith.addi %add3A_438, %mul3A_437 : i32
      %get3A_440 = arith.index_cast %add3A_439 : i32 to index
      %get3A_441 = tpu.vector_load %arg15[%get3A_440] {strides = array<i32>} : memref<2560xf32, #tpu.memory_space<vmem>>, vector<16xf32>,
      %get3A_442 = vector.shape_cast %get3A_441 : vector<16xf32> to vector<16xf32>
      %neg3A = arith.constant 0.000000e+00 : f32
      %neg3A_443 = vector.broadcast %neg3A : f32 to vector<16xf32>
      %neg3A_444 = arith.subf %neg3A_443, %get3A_442 : vector<16xf32>
      %abs3A = math.absf %neg3A_444 : vector<16xf32>
      %neg3A_445 = arith.constant 0.000000e+00 : f32
      %neg3A_446 = vector.broadcast %neg3A_445 : f32 to vector<16xf32>
      %neg3A_447 = arith.subf %neg3A_446, %abs3A : vector<16xf32>
      %exp3A = math.exp %neg3A_447 : vector<16xf32>
      %add3A_448 = arith.constant 2.000000e+00 : f32
      %add3A_449 = vector.broadcast %add3A_448 : f32 to vector<16xf32>
      %add3A_450 = arith.addf %add3A_449, %exp3A : vector<16xf32>
      %div3A = arith.divf %exp3A, %add3A_450 : vector<16xf32>
      %mul3A_451 = arith.mulf %div3A, %div3A : vector<16xf32>
      %mul3A_452 = arith.constant 0.111111112 : f32
      %mul3A_453 = vector.broadcast %mul3A_452 : f32 to vector<16xf32>
      %mul3A_454 = arith.mulf %mul3A_451, %mul3A_453 : vector<16xf32>
      %add3A_455 = arith.constant 0.142857149 : f32
      %add3A_456 = vector.broadcast %add3A_455 : f32 to vector<16xf32>
      %add3A_457 = arith.addf %add3A_456, %mul3A_454 : vector<16xf32>
      %mul3A_458 = arith.mulf %mul3A_451, %add3A_457 : vector<16xf32>
      %add3A_459 = arith.constant 2.000000e-01 : f32
      %add3A_460 = vector.broadcast %add3A_459 : f32 to vector<16xf32>
      %add3A_461 = arith.addf %add3A_460, %mul3A_458 : vector<16xf32>
      %mul3A_462 = arith.mulf %mul3A_451, %add3A_461 : vector<16xf32>
      %add3A_463 = arith.constant 0.333333343 : f32
      %add3A_464 = vector.broadcast %add3A_463 : f32 to vector<16xf32>
      %add3A_465 = arith.addf %add3A_464, %mul3A_462 : vector<16xf32>
      %mul3A_466 = arith.mulf %mul3A_451, %add3A_465 : vector<16xf32>
      %add3A_467 = arith.constant 1.000000e+00 : f32
      %add3A_468 = vector.broadcast %add3A_467 : f32 to vector<16xf32>
      %add3A_469 = arith.addf %add3A_468, %mul3A_466 : vector<16xf32>
      %min3A = arith.constant 0.000000e+00 : f32
      %min3A_470 = vector.broadcast %min3A : f32 to vector<16xf32>
      %min3A_471 = arith.minimumf %neg3A_444, %min3A_470 : vector<16xf32>
      %mul3A_472 = arith.constant 2.000000e+00 : f32
      %mul3A_473 = vector.broadcast %mul3A_472 : f32 to vector<16xf32>
      %mul3A_474 = arith.mulf %mul3A_473, %div3A : vector<16xf32>
      %mul3A_475 = arith.mulf %mul3A_474, %add3A_469 : vector<16xf32>
      %sub3A = arith.subf %min3A_471, %mul3A_475 : vector<16xf32>
      %add3A_476 = arith.addf %scan3A_435, %sub3A : vector<16xf32>
      scf.yield %add3A_476 : vector<16xf32>
    }
    %scan3A_418 = arith.constant 32 : i32
    %gt3A_419 = arith.constant 4 : i32
    %gt3A_420 = vector.broadcast %gt3A_419 : i32 to vector<16xi32>
    %gt3A_421 = arith.cmpi sgt, %get3A_232, %gt3A_420 : vector<16xi32>
    %broadcast_in_dim3A_422 = arith.constant 0.000000e+00 : f32
    %broadcast_in_dim3A_423 = vector.broadcast %broadcast_in_dim3A_422 : f32 to vector<16xf32>
    %select_n3A_424 = arith.select %gt3A_421, %scan3A_417, %broadcast_in_dim3A_423 : vector<16xi1>, vector<16xf32>
    %add3A_425 = arith.addf %add3A_386, %select_n3A_424 : vector<16xf32>
    %mul3A_426 = arith.constant -6.10351563E-5 : f32
    %mul3A_427 = vector.broadcast %mul3A_426 : f32 to vector<16xf32>
    %mul3A_428 = arith.mulf %add3A_425, %mul3A_427 : vector<16xf32>
    %swap3A = arith.constant 0 : index
    %swap3A_429 = tpu.vector_load %arg16[%swap3A] {strides = array<i32>} : memref<16xf32, #tpu.memory_space<vmem>>, vector<16xf32>,
    %swap3A_430 = vector.shape_cast %swap3A_429 : vector<16xf32> to vector<16xf32>
    %swap3A_431 = vector.shape_cast %mul3A_428 : vector<16xf32> to vector<16xf32>
    tpu.vector_store %arg16[%swap3A], %swap3A_431 {strides = array<i32>} : memref<16xf32, #tpu.memory_space<vmem>>, vector<16xf32>,
    %mul3A_432 = arith.constant 16 : i32
    %mul3A_433 = arith.muli %add3A, %mul3A_432 : i32
    "tpu.region"() ({
      %run_scoped3A = tpu.sem_alloc : memref<!tpu.dma_semaphore, #tpu.memory_space<semaphore_mem>>
      %dma_start3A_434 = tpu.memref_slice %arg7[%mul3A_433] : memref<512xf32, #tpu.memory_space<hbm>> -> memref<16xf32, #tpu.memory_space<hbm>>
      %dma_start3A_435 = tpu.memref_slice %arg7[%mul3A_433] : memref<512xf32, #tpu.memory_space<hbm>> -> memref<16xf32, #tpu.memory_space<hbm>>
      tpu.enqueue_dma source(%arg16 : memref<16xf32, #tpu.memory_space<vmem>>) target(%dma_start3A_435 : memref<16xf32, #tpu.memory_space<hbm>>) target_semaphore(%run_scoped3A : memref<!tpu.dma_semaphore, #tpu.memory_space<semaphore_mem>>)
      %dma_wait3A_436 = tpu.memref_slice %arg7[%mul3A_433] : memref<512xf32, #tpu.memory_space<hbm>> -> memref<16xf32, #tpu.memory_space<hbm>>
      %dma_wait3A_437 = tpu.memref_slice %arg7[%mul3A_433] : memref<512xf32, #tpu.memory_space<hbm>> -> memref<16xf32, #tpu.memory_space<hbm>>
      tpu.wait_dma2 semaphore(%run_scoped3A : memref<!tpu.dma_semaphore, #tpu.memory_space<semaphore_mem>>) src(%arg16 : memref<16xf32, #tpu.memory_space<vmem>>) dst(%dma_wait3A_437 : memref<16xf32, #tpu.memory_space<hbm>>)
      tpu.yield
    }) : () -> ()
    return
  }
}

module attributes {stable_mosaic.version = 14 : i64} {
  func.func @_gram_body(%arg0: memref<2000x64xbf16, #tpu.memory_space<hbm>>, %arg1: memref<8192x128xf32, #tpu.memory_space<vmem>>, %arg2: memref<1000x64xbf16, #tpu.memory_space<vmem>>, %arg3: memref<1000x64xbf16, #tpu.memory_space<vmem>>, %arg4: memref<!tpu.dma_semaphore, #tpu.memory_space<semaphore_mem>>) attributes {dimension_semantics = [], scalar_prefetch = 0 : i64, scratch_operands = 3 : i64, tpu.core_type = #tpu.core_type<tc>} {
    %dma_start3A = arith.constant 0 : i32
    %dma_start3A_0 = arith.constant 0 : i32
    %dma_start3A_1 = tpu.memref_slice %arg0[%dma_start3A, %dma_start3A_0] : memref<2000x64xbf16, #tpu.memory_space<hbm>> -> memref<1000x64xbf16, #tpu.memory_space<hbm>>
    tpu.enqueue_dma source(%dma_start3A_1 : memref<1000x64xbf16, #tpu.memory_space<hbm>>) target(%arg2 : memref<1000x64xbf16, #tpu.memory_space<vmem>>) target_semaphore(%arg4 : memref<!tpu.dma_semaphore, #tpu.memory_space<semaphore_mem>>)
    %dma_start3A_2 = arith.constant 1000 : i32
    %dma_start3A_3 = arith.constant 0 : i32
    %dma_start3A_4 = tpu.memref_slice %arg0[%dma_start3A_2, %dma_start3A_3] : memref<2000x64xbf16, #tpu.memory_space<hbm>> -> memref<1000x64xbf16, #tpu.memory_space<hbm>>
    tpu.enqueue_dma source(%dma_start3A_4 : memref<1000x64xbf16, #tpu.memory_space<hbm>>) target(%arg3 : memref<1000x64xbf16, #tpu.memory_space<vmem>>) target_semaphore(%arg4 : memref<!tpu.dma_semaphore, #tpu.memory_space<semaphore_mem>>)
    %dma_wait3A = arith.constant 0 : i32
    %dma_wait3A_5 = arith.constant 0 : i32
    %dma_wait3A_6 = tpu.memref_slice %arg0[%dma_wait3A, %dma_wait3A_5] : memref<2000x64xbf16, #tpu.memory_space<hbm>> -> memref<1000x64xbf16, #tpu.memory_space<hbm>>
    tpu.wait_dma2 semaphore(%arg4 : memref<!tpu.dma_semaphore, #tpu.memory_space<semaphore_mem>>) src(%dma_wait3A_6 : memref<1000x64xbf16, #tpu.memory_space<hbm>>) dst(%arg2 : memref<1000x64xbf16, #tpu.memory_space<vmem>>)
    %dma_wait3A_7 = arith.constant 1000 : i32
    %dma_wait3A_8 = arith.constant 0 : i32
    %dma_wait3A_9 = tpu.memref_slice %arg0[%dma_wait3A_7, %dma_wait3A_8] : memref<2000x64xbf16, #tpu.memory_space<hbm>> -> memref<1000x64xbf16, #tpu.memory_space<hbm>>
    tpu.wait_dma2 semaphore(%arg4 : memref<!tpu.dma_semaphore, #tpu.memory_space<semaphore_mem>>) src(%dma_wait3A_9 : memref<1000x64xbf16, #tpu.memory_space<hbm>>) dst(%arg3 : memref<1000x64xbf16, #tpu.memory_space<vmem>>)
    %get3A = arith.constant 0 : index
    %get3A_10 = arith.constant 0 : index
    %get3A_11 = vector.load %arg2[%get3A, %get3A_10] : memref<1000x64xbf16, #tpu.memory_space<vmem>>, vector<1000x64xbf16>
    %jit3A = arith.constant 0 : i32
    %convert_element_type3A = arith.sitofp %jit3A : i32 to bf16
    %pad3A = vector.broadcast %convert_element_type3A : bf16 to vector<24x64xbf16>
    %pad3A_12 = tpu.concatenate %get3A_11, %pad3A in 0 : vector<1000x64xbf16>, vector<24x64xbf16> -> vector<1024x64xbf16>
    %get3A_13 = arith.constant 0 : index
    %get3A_14 = arith.constant 0 : index
    %get3A_15 = vector.load %arg3[%get3A_13, %get3A_14] : memref<1000x64xbf16, #tpu.memory_space<vmem>>, vector<1000x64xbf16>
    %jit3A_16 = arith.constant 0 : i32
    %convert_element_type3A_17 = arith.sitofp %jit3A_16 : i32 to bf16
    %pad3A_18 = vector.broadcast %convert_element_type3A_17 : bf16 to vector<24x64xbf16>
    %pad3A_19 = tpu.concatenate %get3A_15, %pad3A_18 in 0 : vector<1000x64xbf16>, vector<24x64xbf16> -> vector<1024x64xbf16>
    %dot_general3A = arith.constant dense<0.000000e+00> : vector<1024x1024xf32>
    %dot_general3A_20 = tpu.matmul %pad3A_12, %pad3A_19, %dot_general3A {dimension_numbers = #tpu.dot_dimension_numbers<[1], [1], [0], [0], [0, 0, 1, 0], [], []>, transpose_lhs_hint = false} : vector<1024x64xbf16>, vector<1024x64xbf16>, vector<1024x1024xf32> -> vector<1024x1024xf32>
    %reshape3A = vector.shape_cast %dot_general3A_20 : vector<1024x1024xf32> to vector<8192x128xf32>
    %swap3A = arith.constant 0 : index
    %swap3A_21 = arith.constant 0 : index
    %swap3A_22 = vector.load %arg1[%swap3A, %swap3A_21] : memref<8192x128xf32, #tpu.memory_space<vmem>>, vector<8192x128xf32>
    tpu.vector_store %arg1[%swap3A, %swap3A_21], %reshape3A {strides = array<i32>} : memref<8192x128xf32, #tpu.memory_space<vmem>>, vector<8192x128xf32>,
    return
  }
}

</mosaic_0001>

<sc_bundles>
// kernel: kernel.4.cloned.1.call-start
scs
__scs_entry_jumppad:
0x0: {  	(pc) =	sbr.rel $0x88, $3  }
0x1: {  	(tag) =	ssettag $0x0;
	lr =	simm.s32 $0x1  }
0x2: {  	[smem:$0x3F9C] =	sst lr;
	_ =	strace $0xD0000000  }
0x3: {  	_ = 	snop  }
0x4: {  	_ = 	snop  }
0x5: {  	_ = 	snop  }
0x6: {  	_ = 	snop  }
0x7: {  	_ = 	snop  }
__scs_overlays_trampoline_lowered:
0x8: {  	[smem:$0x3FAB] =	sst s0  }
0x9: {  	[smem:$0x3FAC] =	sst s1  }
0xa: {  	[smem:$0x3FAD] =	sst s2  }
0xb: {  	[smem:$0x3FAE] =	sst s3  }
0xc: {  	[smem:$0x3FAF] =	sst s4  }
0xd: {  	[smem:$0x3FB0] =	sst s5  }
0xe: {  	[smem:$0x3FB1] =	sst s6  }
0xf: {  	[smem:$0x3FB2] =	sst s7  }
0x10: {  	[smem:$0x3FB3] =	sst s8  }
0x11: {  	[smem:$0x3FB4] =	sst s9;
	s0 =	simm.s32 @!p0 $0x0  }
0x12: {  	s1 =	sld [smem:$0x3F9A];
	s0 =	simm.s32 @p0 $0x1  }
0x13: {  	[smem:$0x3FB5] =	sst s0;
	s0 =	simm.s32 @!p1 $0x0  }
0x14: {  	s2 =	sld [smem:$0x3F99];
	s0 =	simm.s32 @p1 $0x1  }
0x15: {  	[smem:$0x3FB6] =	sst s0;
	s0 =	simm.s32 @!p2 $0x0  }
0x16: {  	s3 =	sld [smem:$0x3FDB];
	s0 =	simm.s32 @p2 $0x1  }
0x17: {  	s4 =	simm.s32 $0x1BF5;
	[smem:$0x3FB8] =	sst s0  }
0x18: {  	s0 =	sld [smem:$0x3F9B];
	_ =	swait.ge [sflag:s4], $0x0  }
0x19: {  	s7 =	sld [smem:$0x3F9C]  }
0x1a: {  	s8 =	sadd.s32 $0xFFFFE003, lr  }
0x1b: {  	s9 =	sadd.s32 $0xFFFFFEF7, lr;
	s5 =	simm.s32 $0xFFFFFFFF;
	p2 =	slt.u32 s8, $0xFFFFF086  }
0x1c: {  	p1 =	slt.u32 s9, $0xF7A;
	s5 =	simm.s32 @!p2 $0x0  }
0x1d: {  	s5 =	simm.s32 @p1 $0x1;
	p0 =	seq.s32 s7, s2  }
0x1e: {  	s7 =	smul.u32 @!p0 $0xF7A, s2;
	p2 =	seq.s32 @!p0 s5, $0x0  }
0x1f: {  	s9 =	smul.u32 $0xF7A, s1;
	s8 =	simm.s32 @!p0 $0x1BF5;
	p2 =	por !p2, p0  }
0x20: {  	[sflag:s8] =	ssyncset.s32 @!p0 $0xFFFFF086;
	s6 =	sadd.s32 @!p0 s3, s7;
	s7 =	simm.s32 @!p0 $0x108  }
0x21: {  	s3 =	sadd.s32 s3, s9;
	s6 =	sadd.s32 @!p0 $0x88, s6;
	s7 =	simm.s32 @p2 $0x1082  }
0x22: {  	[simem:s7], [sflag:s8] =	dma.local @!p0 [hbm:s6], $0xF7A  }
0x23: {  	s9 =	sor.u32 $0xD0000000, s2;
	s6 =	simm.s32 $0x108;
	_ =	swait.ge @!p0 [sflag:s8], $0x0  }
0x24: {  	s3 =	sadd.s32 $0x88, s3;
	s6 =	simm.s32 @!p1 $0x1082;
	[sflag:s4] =	ssyncset.s32 $0xFFFFF086  }
0x25: {  	[simem:s6], [sflag:s4] =	dma.local [hbm:s3], $0xF7A  }
0x26: {  	[smem:$0x3F9C] =	sst s1;
	(tag) =	ssettag s2;
	_ =	strace s9  }
0x27: {  	s1 =	sld [smem:$0x3FAC]  }
0x28: {  	s2 =	sld [smem:$0x3FAD]  }
0x29: {  	s4 =	sld [smem:$0x3FAF]  }
0x2a: {  	p0 =	seq.s32 s5, $0x0;
	s5 =	sld [smem:$0x3FB0]  }
0x2b: {  	s6 =	sld [smem:$0x3FB1]  }
0x2c: {  	s7 =	sld [smem:$0x3FB2]  }
0x2d: {  	s3 =	simm.s32 $0x108;
	s8 =	sld [smem:$0x3FB3]  }
0x2e: {  	s3 =	simm.s32 @!p0 $0x1082;
	s9 =	sld [smem:$0x3FB4]  }
0x2f: {  	lr =	sadd.s32 s0, s3;
	s0 =	sld [smem:$0x3FAB]  }
0x30: {  	s3 =	sld [smem:$0x3FAE]  }
0x31: {  	[smem:$0x3FB7] =	sst s10  }
0x32: {  	s10 =	sld [smem:$0x3FB5];
	_ =	sdelay $0x3  }
0x33: {  	p0 =	seq.s32 s10, $0x1;
	s10 =	sld [smem:$0x3FB7];
	_ =	sdelay $0x3  }
0x34: {  	[smem:$0x3FB7] =	sst s10  }
0x35: {  	s10 =	sld [smem:$0x3FB6];
	_ =	sdelay $0x3  }
0x36: {  	p1 =	seq.s32 s10, $0x1;
	s10 =	sld [smem:$0x3FB7];
	_ =	sdelay $0x3  }
0x37: {  	[smem:$0x3FB7] =	sst s10  }
0x38: {  	s10 =	sld [smem:$0x3FB8]  }
0x39: {  	_ = 	snop;
	(pc) =	sbr.ind lr, $3  }
0x3a: {  	_ = 	snop  }
0x3b: {  	_ = 	snop  }
0x3c: {  	p2 =	seq.s32 s10, $0x1;
	s10 =	sld [smem:$0x3FB7]  }
0x3d: {  	_ =	shalt  }
0x3e: {  	_ =	shalt  }
0x3f: {  	_ =	shalt  }
0x40: {  	_ =	shalt  }
0x41: {  	_ =	shalt  }
0x42: {  	_ =	shalt  }
0x43: {  	_ =	shalt  }
0x44: {  	_ =	shalt  }
0x45: {  	_ =	shalt  }
0x46: {  	_ =	shalt  }
0x47: {  	_ =	shalt  }
0x48: {  	_ =	shalt  }
0x49: {  	_ =	shalt  }
0x4a: {  	_ =	shalt  }
0x4b: {  	_ =	shalt  }
0x4c: {  	_ =	shalt  }
0x4d: {  	_ =	shalt  }
0x4e: {  	_ =	shalt  }
0x4f: {  	_ =	shalt  }
0x50: {  	_ =	shalt  }
0x51: {  	_ =	shalt  }
0x52: {  	_ =	shalt  }
0x53: {  	_ =	shalt  }
0x54: {  	_ =	shalt  }
0x55: {  	_ =	shalt  }
0x56: {  	_ =	shalt  }
0x57: {  	_ =	shalt  }
0x58: {  	_ =	shalt  }
0x59: {  	_ =	shalt  }
0x5a: {  	_ =	shalt  }
0x5b: {  	_ =	shalt  }
0x5c: {  	_ =	shalt  }
0x5d: {  	_ =	shalt  }
0x5e: {  	_ =	shalt  }
0x5f: {  	_ =	shalt  }
0x60: {  	_ =	shalt  }
0x61: {  	_ =	shalt  }
0x62: {  	_ =	shalt  }
0x63: {  	_ =	shalt  }
0x64: {  	_ =	shalt  }
0x65: {  	_ =	shalt  }
0x66: {  	_ =	shalt  }
0x67: {  	_ =	shalt  }
0x68: {  	_ =	shalt  }
0x69: {  	_ =	shalt  }
0x6a: {  	_ =	shalt  }
0x6b: {  	_ =	shalt  }
0x6c: {  	_ =	shalt  }
0x6d: {  	_ =	shalt  }
0x6e: {  	_ =	shalt  }
0x6f: {  	_ =	shalt  }
0x70: {  	_ =	shalt  }
0x71: {  	_ =	shalt  }
0x72: {  	_ =	shalt  }
0x73: {  	_ =	shalt  }
0x74: {  	_ =	shalt  }
0x75: {  	_ =	shalt  }
0x76: {  	_ =	shalt  }
0x77: {  	_ =	shalt  }
0x78: {  	_ =	shalt  }
0x79: {  	_ =	shalt  }
0x7a: {  	_ =	shalt  }
0x7b: {  	_ =	shalt  }
0x7c: {  	_ =	shalt  }
0x7d: {  	_ =	shalt  }
0x7e: {  	_ =	shalt  }
0x7f: {  	_ =	shalt  }
0x80: {  	_ =	shalt  }
0x81: {  	_ =	shalt  }
0x82: {  	_ =	shalt  }
0x83: {  	_ =	shalt  }
0x84: {  	_ =	shalt  }
0x85: {  	_ =	shalt  }
0x86: {  	_ =	shalt  }
0x87: {  	_ =	shalt  }
.Lfunc_end0:
.L_simem_size_0:
called_computation_lowered:
.L_overlay_start_0:
0x88: {  	s2 =	sld [smem:$0x3FD9]  }
0x89: {  	s3 =	sld [smem:$0x3FFE];
	_ =	sdelay $0x1  }
0x8a: {  	s1 =	srdreg.scid  }
0x8b: {  	s0 =	sand.u32 $0x1, s1  }
0x8c: {  	s17 =	sshll.u32 s0, $0xA;
	s2 =	sadd.s32 s3, s2  }
0x8d: {  	s2 =	sadd.s32 s2, s17  }
0x8e: {  	[smem:$0x3FC3] =	sst s2  }
0x8f: {  	_ = 	snop  }
0x90: {  	s2 =	sld [smem:$0x3FC7]  }
0x91: {  	s18 =	sld [smem:$0x3FC6]  }
0x92: {  	s4 =	sld [smem:$0x3FD0];
	(tm) =	ssettm $0x1  }
0x93: {  	s5 =	sld [smem:$0x3FFB];
	_ =	sdelay $0x3  }
0x94: {  	_ =	strace s5  }
0x95: {  	s5 =	sld [smem:$0x3FFC];
	_ =	sdelay $0x3  }
0x96: {  	_ =	strace s5  }
0x97: {  	s5 =	sld [smem:$0x3FFD];
	_ =	sdelay $0x3  }
0x98: {  	_ =	strace s5  }
0x99: {  	_ =	strace $0x8FFFFFFF  }
0x9a: {  	s19 =	sld [smem:$0x3FDB];
	_ =	sdelay $0x1  }
0x9b: {  	s6 =	simm.s32 $_scs_section_size  }
0x9c: {  	s7 =	simm.s32 $_size__tile_overlayer_lowered;
	s8 =	simm.s32 $_tile_overlayer_lowered  }
0x9d: {  	s22 =	simm.s32 $0x1BFF;
	s21 =	sshll.u32 s8, $0x1;
	s5 =	sadd.s32 s6, s19  }
0x9e: {  	s9 =	simm.s32 $0x0;
	s20 =	sshll.u32 s7, $0x1;
	s7 =	sadd.s32 s21, s5  }
0x9f: {  	[timem:s9], [sflag:s22] =	dma.local [hbm:s7], s20  }
0xa0: {  	_ =	swait.ge [sflag:s22], s20  }
0xa1: {  	s6 =	ssub.s32 $0x0, s20;
	[sflag:s22] =	ssyncset.done $0x0  }
0xa2: {  	[sflag:s22] =	ssyncadd.s32 s6;
	_ =	sdelay $0x1  }
0xa3: {  	s23 =	simm.s32 $0x1B8B  }
0xa4: {  	_ =	swait.ge [sflag:s23], $0x1  }
0xa5: {  	[sflag:s23] =	ssyncset.done $0x0  }
0xa6: {  	s25 =	simm.s32 $0x1B8E;
	s24 =	sld [smem:$0x3FFE];
	[sflag:s23] =	ssyncadd.s32 $0xFFFFFFFF  }
0xa7: {  	s26 =	simm.s32 $execute0_lowered;
	[smem:$0x3FD2] =	sst s25  }
0xa8: {  	s7 =	sshll.u32 s26, $0x1;
	_ =	strace $0x80000046;
	[dreg:$0x1] =	wrdreg $0xFFFFFFFF  }
0xa9: {  	s28 =	simm.s32 $_size_execute0_lowered;
	s5 =	sadd.s32 s5, s7;
	[dreg:$0x0] =	wrdreg $0x0  }
0xaa: {  	s7 =	sshll.u32 s28, $0x1;
	[dreg:$0x2] =	wrdreg s5  }
0xab: {  	[dreg:$0x3] =	wrdreg s7  }
0xac: {  	[dreg:$0x4] =	wrdreg $0xC0  }
0xad: {  	_ =	task [dreg:s9], $0x5FFFF  }
0xae: {  	[dreg:$0x1] =	wrdreg $0xFFFFFFFF  }
0xaf: {  	[dreg:$0x0] =	wrdreg $0x60  }
0xb0: {  	[dreg:$0x2] =	wrdreg s24  }
0xb1: {  	[dreg:$0x3] =	wrdreg s2  }
0xb2: {  	[dreg:$0x4] =	wrdreg s18  }
0xb3: {  	[dreg:$0x5] =	wrdreg s4  }
0xb4: {  	[dreg:$0x6] =	wrdreg $0x9  }
0xb5: {  	_ =	task.clear_ibuf [dreg:s9], $0x7FFFF;
	_ =	strace $0x90000046  }
0xb6: {  	s29 =	simm.s32 $0x9;
	_ =	strace $0x80000048  }
0xb7: {  	_ =	swait.ge [sflag:s29], $0x1  }
0xb8: {  	[sflag:s29] =	ssyncadd.s32 $0xFFFFFFFF  }
0xb9: {  	_ =	strace $0x90000048  }
0xba: {  	_ =	sfence  }
0xbb: {  	s30 =	sld [smem:$0x0];
	_ =	sdelay $0x2  }
0xbc: {  	s31 =	sshll.u32 s1, $0xD;
	s1 =	sshrl.u32 s1, $0x2  }
0xbd: {  	s3 =	sand.u32 $0x4000, s31;
	s1 =	sadd.s32 s1, s30  }
0xbe: {  	s0 =	sor.u32 s3, s0;
	s1 =	sshll.u32 s1, $0x11  }
0xbf: {  	s0 =	sor.u32 s1, s0  }
0xc0: {  	s0 =	sadd.s32 $0x8F2B, s0  }
0xc1: {  	[sflag:s0] =	ssyncadd.remote.s32 $0x1  }
0xc2: {  	_ =	sfence.sel $0xFFFF  }
0xc3: {  	[dreg:$0x0] =	wrdreg $0xFFFFFFFF;
	(pc) =	sbr.abs _section_cstart, $3  }
0xc4: {  	[dreg:$0x1] =	wrdreg $0xFFFFFFFF  }
0xc5: {  	_ =	task.clear_ibuf [dreg:s9], $0x2FFFF;
	_ =	strace $0x9FFFFFFF  }
0xc6: {  	(tm) =	ssettm $0x7FFFFFFF  }
0xc7: {  	_ =	shalt  }
tec
execute0_lowered:
.L_overlay_start_1:
0x0: {  	(tag) =	ssettag $0x1  }
0x1: {  	s0 =	rddreg [dreg:$0x0]  }
0x2: {  	s1 =	rddreg [dreg:$0x1]  }
0x3: {  	s2 =	srdreg.scid;
	s6 =	rddreg [dreg:$0x2]  }
0x4: {  	s5 =	stileid.u32;
	s3 =	simm.s32 $0x0;
	s13 =	simm.s32 $0x1  }
0x5: {  	s14 =	simm.s32 $0x80;
	s23 =	simm.s32 $0x2;
	s11 =	simm.s32 $0x1880  }
0x6: {  	s12 =	simm.s32 $0x2480;
	s15 =	simm.s32 $0x1900;
	s16 =	simm.s32 $0x2500  }
0x7: {  	s17 =	simm.s32 $0x1980;
	s18 =	simm.s32 $0x2580;
	s19 =	simm.s32 $0x1A00  }
0x8: {  	s20 =	simm.s32 $0x2600;
	s21 =	simm.s32 $0x4;
	s22 =	simm.s32 $0x3  }
0x9: {  	s24 =	simm.s32 $0x5;
	s25 =	simm.s32 $0x6;
	s28 =	simm.s32 $0x8  }
0xa: {  	s29 =	simm.s32 $0x9;
	s30 =	simm.s32 $0x2680;
	s2 =	sand.u32 $0x1, s2  }
0xb: {  	s31 =	simm.s32 $0xA;
	[smem:$0x7FF] =	sst s3;
	s4 =	sshll.u32 s2, $0x4  }
0xc: {  	_ =	strace $0x80000047;
	s2 =	ssub.s32 $0x2, s2;
	s5 =	sor.u32 s5, s4  }
0xd: {  	s4 =	sadd.s32 $0x400, s0;
	s9 =	sshrl.u32 s2, $0x1;
	s7 =	smul.u32 $0x140, s5  }
0xe: {  	s8 =	sshll.u32 s5, $0x1;
	s2 =	ssub.s32 s2, s9;
	s26 =	sshll.u32 s5, $0x6  }
0xf: {  	s5 =	sadd.s32 s1, s26;
	s6 =	sadd.s32 s6, s26;
	s9 =	smax.u32 s2, $0x1  }
0x10: {  	s26 =	simm.s32 $0x7;
	s7 =	sadd.s32 s7, s0;
	s0 =	sadd.s32 s8, s0  }
0x11: {  	s7 =	sadd.s32 $0x20400, s7;
	s8 =	sadd.s32 $0x22C00, s0;
	s0 =	simm.s32 $0x0  }
.LBB2_1:
0x12: {  	[tilespmem:s3], [sflag:$0x1] =	stream.linear.gather [hbm4b:s5+s3], $0x200, $0x38;
	[tilespmem:$0x2700] =	vst v63  }
0x13: {  	s1 =	simm.s32 $0x200  }
0x14: {  	[tilespmem:s1], [sflag:$0x1] =	stream.linear.gather [hbm4b:s6+s3], $0x200, $0x38;
	[tilespmem:$0x2700] =	vst v63  }
0x15: {  	s2 =	simm.s32 $0x400  }
0x16: {  	[tilespmem:s2], [sflag:$0x2] =	stream.linear.gather [hbm4b:s7+s3], $0xA00, $0x38;
	[tilespmem:$0x2700] =	vst v63  }
0x17: {  	s10 =	rddreg [dreg:$0x3];
	s2 =	simm.s32 $0xE00  }
0x18: {  	[tilespmem:s2], [sflag:$0x3] =	stream.linear.gather [hbm4b:s10+s3], $0x80, $0x38;
	[tilespmem:$0x2700] =	vst v63  }
0x19: {  	_ =	swait.ge [sflag:s13], $0x200  }
0x1a: {  	[sflag:s13] =	ssyncset.done $0x0  }
0x1b: {  	[sflag:s13] =	ssyncadd.s32 $0xFFFFFE00  }
0x1c: {  	_ =	swait.ge [sflag:s13], $0x200  }
0x1d: {  	[sflag:s13] =	ssyncset.done $0x0  }
0x1e: {  	s1 =	simm.s32 $0x0;
	[sflag:s13] =	ssyncadd.s32 $0xFFFFFE00  }
0x1f: {  	v0 =	vld [tilespmem:s1+$0x0]  }
0x20: {  	s2 =	simm.s32 $0x40;
	v1 =	vld [tilespmem:s1+$0x200]  }
.LBB2_2:
0x21: {  	p0 =	sne.s32 s2, $0x7C0  }
.Ltmp0:
0x22: {  	_ = 	snop;
	(pc) =	sbr.rel @p0 .LBB2_2-.Ltmp0, $4  }
0x23: {  	_ = 	snop  }
0x24: {  	s10 =	sshra.s32 s2, $0x2;
	s2 =	sadd.s32 $0x40, s2;
	v2 =	vshll.u32 v0, $0xA  }
0x25: {  	v0 =	vld [tilespmem:s10+$0x0];
	v2 =	vadd.s32 v1, v2  }
0x26: {  	v1 =	vld [tilespmem:s10+$0x200];
	[tilespmem:s1+$0xE80] =	vst v2;
	s1 =	smov.u32 s10  }
0x27: {  	_ =	sdelay $0x2  }
0x28: {  	v0 =	vshll.u32 v0, $0xA  }
0x29: {  	v0 =	vadd.s32 v1, v0  }
0x2a: {  	s10 =	simm.s32 $0xE80;
	s2 =	simm.s32 $0x1A80;
	[tilespmem:s1+$0xE80] =	vst v0  }
0x2b: {  	[tilespmem:s2], [sflag:$0x4] =	stream.indirect.gather [hbm4b:s4+s14], $0x1, s10, s14, $0xb8;
	[tilespmem:$0x2700] =	vst v63  }
0x2c: {  	s2 =	simm.s32 $0xF00;
	s10 =	simm.s32 $0x1B00  }
0x2d: {  	[tilespmem:s10], [sflag:$0x4] =	stream.indirect.gather [hbm4b:s4+s14], $0x1, s2, s14, $0xb8;
	[tilespmem:$0x2700] =	vst v63  }
0x2e: {  	s2 =	simm.s32 $0xF80;
	s10 =	simm.s32 $0x1B80  }
0x2f: {  	[tilespmem:s10], [sflag:$0x4] =	stream.indirect.gather [hbm4b:s4+s14], $0x1, s2, s14, $0xb8;
	[tilespmem:$0x2700] =	vst v63  }
0x30: {  	s2 =	simm.s32 $0x1000;
	s10 =	simm.s32 $0x1C00  }
0x31: {  	[tilespmem:s10], [sflag:$0x4] =	stream.indirect.gather [hbm4b:s4+s14], $0x1, s2, s14, $0xb8;
	[tilespmem:$0x2700] =	vst v63  }
0x32: {  	_ =	swait.ge [sflag:s23], $0xA00  }
0x33: {  	[sflag:s23] =	ssyncset.done $0x0  }
0x34: {  	s1 =	simm.s32 $0x0;
	[sflag:s23] =	ssyncadd.s32 $0xFFFFF600  }
0x35: {  	v0 =	vld [tilespmem:s1+$0x400]  }
0x36: {  	v1 =	vld [tilespmem:s1+$0x200]  }
0x37: {  	v2 =	vld [tilespmem:s1+$0x0]  }
0x38: {  	s2 =	simm.s32 $0x40  }
.LBB2_4:
0x39: {  	p0 =	sne.s32 s2, $0x7C0  }
.Ltmp1:
0x3a: {  	s10 =	sshra.s32 s2, $0x2;
	s2 =	sadd.s32 $0x40, s2;
	v3 =	vand.u32 $0x3FF, v0;
	(pc) =	sbr.rel @p0 .LBB2_4-.Ltmp1, $4  }
0x3b: {  	v4 =	vshrl.u32 v0, $0xA;
	v0 =	vld [tilespmem:s10+$0x400];
	vm0 =	veq.s32 v3, v1  }
0x3c: {  	v1 =	vld [tilespmem:s10+$0x200];
	v3 =	vsel vm0, v4, v3;
	v4 =	vshll.u32 v2, $0xA  }
0x3d: {  	v2 =	vld [tilespmem:s10+$0x0];
	v3 =	vadd.s32 v4, v3  }
0x3e: {  	[tilespmem:s1+$0x1080] =	vst v3;
	s1 =	smov.u32 s10  }
0x3f: {  	_ = 	snop  }
0x40: {  	v3 =	vand.u32 $0x3FF, v0  }
0x41: {  	v0 =	vshrl.u32 v0, $0xA;
	vm0 =	veq.s32 v3, v1  }
0x42: {  	v0 =	vsel vm0, v0, v3;
	v1 =	vshll.u32 v2, $0xA  }
0x43: {  	v0 =	vadd.s32 v1, v0  }
0x44: {  	s10 =	simm.s32 $0x1080;
	s2 =	simm.s32 $0x1C80;
	[tilespmem:s1+$0x1080] =	vst v0  }
0x45: {  	[tilespmem:s2], [sflag:$0x5] =	stream.indirect.gather [hbm4b:s4+s14], $0x1, s10, s14, $0xb8;
	[tilespmem:$0x2700] =	vst v63  }
0x46: {  	s2 =	simm.s32 $0x1100;
	s10 =	simm.s32 $0x1D00  }
0x47: {  	[tilespmem:s10], [sflag:$0x5] =	stream.indirect.gather [hbm4b:s4+s14], $0x1, s2, s14, $0xb8;
	[tilespmem:$0x2700] =	vst v63  }
0x48: {  	s2 =	simm.s32 $0x1180;
	s10 =	simm.s32 $0x1D80  }
0x49: {  	[tilespmem:s10], [sflag:$0x5] =	stream.indirect.gather [hbm4b:s4+s14], $0x1, s2, s14, $0xb8;
	[tilespmem:$0x2700] =	vst v63  }
0x4a: {  	s1 =	simm.s32 $0x0;
	s2 =	simm.s32 $0x1200;
	s10 =	simm.s32 $0x1E00  }
0x4b: {  	[tilespmem:s10], [sflag:$0x5] =	stream.indirect.gather [hbm4b:s4+s14], $0x1, s2, s14, $0xb8;
	[tilespmem:$0x2700] =	vst v63  }
0x4c: {  	v0 =	vld [tilespmem:s1+$0x600]  }
0x4d: {  	v1 =	vld [tilespmem:s1+$0x200]  }
0x4e: {  	v2 =	vld [tilespmem:s1+$0x0]  }
0x4f: {  	s2 =	simm.s32 $0x40  }
.LBB2_6:
0x50: {  	p0 =	sne.s32 s2, $0x7C0  }
.Ltmp2:
0x51: {  	s10 =	sshra.s32 s2, $0x2;
	s2 =	sadd.s32 $0x40, s2;
	v3 =	vand.u32 $0x3FF, v0;
	(pc) =	sbr.rel @p0 .LBB2_6-.Ltmp2, $4  }
0x52: {  	v4 =	vshrl.u32 v0, $0xA;
	v0 =	vld [tilespmem:s10+$0x600];
	vm0 =	veq.s32 v3, v1  }
0x53: {  	v1 =	vld [tilespmem:s10+$0x200];
	v3 =	vsel vm0, v4, v3;
	v4 =	vshll.u32 v2, $0xA  }
0x54: {  	v2 =	vld [tilespmem:s10+$0x0];
	v3 =	vadd.s32 v4, v3  }
0x55: {  	[tilespmem:s1+$0x1280] =	vst v3;
	s1 =	smov.u32 s10  }
0x56: {  	_ = 	snop  }
0x57: {  	v3 =	vand.u32 $0x3FF, v0  }
0x58: {  	v0 =	vshrl.u32 v0, $0xA;
	vm0 =	veq.s32 v3, v1  }
0x59: {  	v0 =	vsel vm0, v0, v3;
	v1 =	vshll.u32 v2, $0xA  }
0x5a: {  	v0 =	vadd.s32 v1, v0  }
0x5b: {  	s10 =	simm.s32 $0x1280;
	s2 =	simm.s32 $0x1E80;
	[tilespmem:s1+$0x1280] =	vst v0  }
0x5c: {  	[tilespmem:s2], [sflag:$0x6] =	stream.indirect.gather [hbm4b:s4+s14], $0x1, s10, s14, $0xb8;
	[tilespmem:$0x2700] =	vst v63  }
0x5d: {  	s2 =	simm.s32 $0x1300;
	s10 =	simm.s32 $0x1F00  }
0x5e: {  	[tilespmem:s10], [sflag:$0x6] =	stream.indirect.gather [hbm4b:s4+s14], $0x1, s2, s14, $0xb8;
	[tilespmem:$0x2700] =	vst v63  }
0x5f: {  	s2 =	simm.s32 $0x1380;
	s10 =	simm.s32 $0x1F80  }
0x60: {  	[tilespmem:s10], [sflag:$0x6] =	stream.indirect.gather [hbm4b:s4+s14], $0x1, s2, s14, $0xb8;
	[tilespmem:$0x2700] =	vst v63  }
0x61: {  	s1 =	simm.s32 $0x0;
	s2 =	simm.s32 $0x1400;
	s10 =	simm.s32 $0x2000  }
0x62: {  	[tilespmem:s10], [sflag:$0x6] =	stream.indirect.gather [hbm4b:s4+s14], $0x1, s2, s14, $0xb8;
	[tilespmem:$0x2700] =	vst v63  }
0x63: {  	v0 =	vld [tilespmem:s1+$0x800]  }
0x64: {  	v1 =	vld [tilespmem:s1+$0x200]  }
0x65: {  	v2 =	vld [tilespmem:s1+$0x0]  }
0x66: {  	s2 =	simm.s32 $0x40  }
.LBB2_8:
0x67: {  	p0 =	sne.s32 s2, $0x7C0  }
.Ltmp3:
0x68: {  	s10 =	sshra.s32 s2, $0x2;
	s2 =	sadd.s32 $0x40, s2;
	v3 =	vand.u32 $0x3FF, v0;
	(pc) =	sbr.rel @p0 .LBB2_8-.Ltmp3, $4  }
0x69: {  	v4 =	vshrl.u32 v0, $0xA;
	v0 =	vld [tilespmem:s10+$0x800];
	vm0 =	veq.s32 v3, v1  }
0x6a: {  	v1 =	vld [tilespmem:s10+$0x200];
	v3 =	vsel vm0, v4, v3;
	v4 =	vshll.u32 v2, $0xA  }
0x6b: {  	v2 =	vld [tilespmem:s10+$0x0];
	v3 =	vadd.s32 v4, v3  }
0x6c: {  	[tilespmem:s1+$0x1480] =	vst v3;
	s1 =	smov.u32 s10  }
0x6d: {  	_ = 	snop  }
0x6e: {  	v3 =	vand.u32 $0x3FF, v0  }
0x6f: {  	v0 =	vshrl.u32 v0, $0xA;
	vm0 =	veq.s32 v3, v1  }
0x70: {  	v0 =	vsel vm0, v0, v3;
	v1 =	vshll.u32 v2, $0xA  }
0x71: {  	v0 =	vadd.s32 v1, v0  }
0x72: {  	s10 =	simm.s32 $0x1480;
	s2 =	simm.s32 $0x2080;
	[tilespmem:s1+$0x1480] =	vst v0  }
0x73: {  	[tilespmem:s2], [sflag:$0x7] =	stream.indirect.gather [hbm4b:s4+s14], $0x1, s10, s14, $0xb8;
	[tilespmem:$0x2700] =	vst v63  }
0x74: {  	s2 =	simm.s32 $0x1500;
	s10 =	simm.s32 $0x2100  }
0x75: {  	[tilespmem:s10], [sflag:$0x7] =	stream.indirect.gather [hbm4b:s4+s14], $0x1, s2, s14, $0xb8;
	[tilespmem:$0x2700] =	vst v63  }
0x76: {  	s2 =	simm.s32 $0x1580;
	s10 =	simm.s32 $0x2180  }
0x77: {  	[tilespmem:s10], [sflag:$0x7] =	stream.indirect.gather [hbm4b:s4+s14], $0x1, s2, s14, $0xb8;
	[tilespmem:$0x2700] =	vst v63  }
0x78: {  	s1 =	simm.s32 $0x0;
	s2 =	simm.s32 $0x1600;
	s10 =	simm.s32 $0x2200  }
0x79: {  	[tilespmem:s10], [sflag:$0x7] =	stream.indirect.gather [hbm4b:s4+s14], $0x1, s2, s14, $0xb8;
	[tilespmem:$0x2700] =	vst v63  }
0x7a: {  	v0 =	vld [tilespmem:s1+$0xA00]  }
0x7b: {  	v1 =	vld [tilespmem:s1+$0x200]  }
0x7c: {  	v2 =	vld [tilespmem:s1+$0x0]  }
0x7d: {  	s2 =	simm.s32 $0x40  }
.LBB2_10:
0x7e: {  	p0 =	sne.s32 s2, $0x7C0  }
.Ltmp4:
0x7f: {  	s10 =	sshra.s32 s2, $0x2;
	s2 =	sadd.s32 $0x40, s2;
	v3 =	vand.u32 $0x3FF, v0;
	(pc) =	sbr.rel @p0 .LBB2_10-.Ltmp4, $4  }
0x80: {  	v4 =	vshrl.u32 v0, $0xA;
	v0 =	vld [tilespmem:s10+$0xA00];
	vm0 =	veq.s32 v3, v1  }
0x81: {  	v1 =	vld [tilespmem:s10+$0x200];
	v3 =	vsel vm0, v4, v3;
	v4 =	vshll.u32 v2, $0xA  }
0x82: {  	v2 =	vld [tilespmem:s10+$0x0];
	v3 =	vadd.s32 v4, v3  }
0x83: {  	[tilespmem:s1+$0x1680] =	vst v3;
	s1 =	smov.u32 s10  }
0x84: {  	_ = 	snop  }
0x85: {  	v3 =	vand.u32 $0x3FF, v0  }
0x86: {  	v0 =	vshrl.u32 v0, $0xA;
	vm0 =	veq.s32 v3, v1  }
0x87: {  	v0 =	vsel vm0, v0, v3;
	v1 =	vshll.u32 v2, $0xA  }
0x88: {  	v0 =	vadd.s32 v1, v0  }
0x89: {  	s10 =	simm.s32 $0x1680;
	s2 =	simm.s32 $0x2280;
	[tilespmem:s1+$0x1680] =	vst v0  }
0x8a: {  	[tilespmem:s2], [sflag:$0x8] =	stream.indirect.gather [hbm4b:s4+s14], $0x1, s10, s14, $0xb8;
	[tilespmem:$0x2700] =	vst v63  }
0x8b: {  	s2 =	simm.s32 $0x1700;
	s10 =	simm.s32 $0x2300  }
0x8c: {  	[tilespmem:s10], [sflag:$0x8] =	stream.indirect.gather [hbm4b:s4+s14], $0x1, s2, s14, $0xb8;
	[tilespmem:$0x2700] =	vst v63  }
0x8d: {  	s2 =	simm.s32 $0x1780;
	s10 =	simm.s32 $0x2380  }
0x8e: {  	[tilespmem:s10], [sflag:$0x8] =	stream.indirect.gather [hbm4b:s4+s14], $0x1, s2, s14, $0xb8;
	[tilespmem:$0x2700] =	vst v63  }
0x8f: {  	s1 =	simm.s32 $0x0;
	s2 =	simm.s32 $0x1800;
	s10 =	simm.s32 $0x2400  }
0x90: {  	[tilespmem:s10], [sflag:$0x8] =	stream.indirect.gather [hbm4b:s4+s14], $0x1, s2, s14, $0xb8;
	[tilespmem:$0x2700] =	vst v63  }
0x91: {  	v0 =	vld [tilespmem:s1+$0xC00]  }
0x92: {  	v1 =	vld [tilespmem:s1+$0x200]  }
0x93: {  	v2 =	vld [tilespmem:s1+$0x0]  }
0x94: {  	s2 =	simm.s32 $0x40  }
.LBB2_12:
0x95: {  	p0 =	sne.s32 s2, $0x7C0  }
.Ltmp5:
0x96: {  	s10 =	sshra.s32 s2, $0x2;
	s2 =	sadd.s32 $0x40, s2;
	v3 =	vand.u32 $0x3FF, v0;
	(pc) =	sbr.rel @p0 .LBB2_12-.Ltmp5, $4  }
0x97: {  	v4 =	vshrl.u32 v0, $0xA;
	v0 =	vld [tilespmem:s10+$0xC00];
	vm0 =	veq.s32 v3, v1  }
0x98: {  	v1 =	vld [tilespmem:s10+$0x200];
	v3 =	vsel vm0, v4, v3;
	v4 =	vshll.u32 v2, $0xA  }
0x99: {  	v2 =	vld [tilespmem:s10+$0x0];
	v3 =	vadd.s32 v4, v3  }
0x9a: {  	[tilespmem:s1+$0x1880] =	vst v3;
	s1 =	smov.u32 s10  }
0x9b: {  	_ = 	snop  }
0x9c: {  	v3 =	vand.u32 $0x3FF, v0  }
0x9d: {  	v0 =	vshrl.u32 v0, $0xA;
	vm0 =	veq.s32 v3, v1  }
0x9e: {  	v0 =	vsel vm0, v0, v3;
	v1 =	vshll.u32 v2, $0xA  }
0x9f: {  	v0 =	vadd.s32 v1, v0  }
0xa0: {  	[tilespmem:s1+$0x1880] =	vst v0  }
0xa1: {  	[tilespmem:s12], [sflag:$0x9] =	stream.indirect.gather [hbm4b:s4+s14], $0x1, s11, s14, $0xb8;
	[tilespmem:$0x2700] =	vst v63  }
0xa2: {  	_ = 	snop  }
0xa3: {  	[tilespmem:s16], [sflag:$0x9] =	stream.indirect.gather [hbm4b:s4+s14], $0x1, s15, s14, $0xb8;
	[tilespmem:$0x2700] =	vst v63  }
0xa4: {  	_ = 	snop  }
0xa5: {  	[tilespmem:s18], [sflag:$0x9] =	stream.indirect.gather [hbm4b:s4+s14], $0x1, s17, s14, $0xb8;
	[tilespmem:$0x2700] =	vst v63  }
0xa6: {  	_ = 	snop  }
0xa7: {  	[tilespmem:s20], [sflag:$0x9] =	stream.indirect.gather [hbm4b:s4+s14], $0x1, s19, s14, $0xb8;
	[tilespmem:$0x2700] =	vst v63  }
0xa8: {  	_ =	swait.ge [sflag:s21], $0x80  }
0xa9: {  	[sflag:s21] =	ssyncset.done $0x0  }
0xaa: {  	[sflag:s21] =	ssyncadd.s32 $0xFFFFFF80  }
0xab: {  	_ =	swait.ge [sflag:s21], $0x80  }
0xac: {  	[sflag:s21] =	ssyncset.done $0x0  }
0xad: {  	[sflag:s21] =	ssyncadd.s32 $0xFFFFFF80  }
0xae: {  	_ =	swait.ge [sflag:s21], $0x80  }
0xaf: {  	[sflag:s21] =	ssyncset.done $0x0  }
0xb0: {  	[sflag:s21] =	ssyncadd.s32 $0xFFFFFF80  }
0xb1: {  	_ =	swait.ge [sflag:s21], $0x80  }
0xb2: {  	[sflag:s21] =	ssyncset.done $0x0  }
0xb3: {  	s10 =	simm.s32 $0x0;
	[sflag:s21] =	ssyncadd.s32 $0xFFFFFF80  }
0xb4: {  	v0 =	vld [tilespmem:s10+$0x1A80];
	_ =	sdelay $0x3  }
0xb5: {  	s2 =	simm.s32 $0x10  }
0xb6: {  	v8 =	vld [tilespmem:s2+$0x1A80];
	v1 =	vand.u32 $0x7FFFFFFF, v0  }
0xb7: {  	v1 =	vsub.f32 $0.0e+00, v1;
	_ =	sdelay $0x1  }
0xb8: {  	v1 =	vmul.f32 $1.442695020e+00, v1;
	_ =	sdelay $0x1  }
0xb9: {  	(erf) = vpow2.f32 v1;
	v1 =	vand.u32 $0x7FFFFFFF, v8  }
0xba: {  	v1 =	vsub.f32 $0.0e+00, v1;
	_ =	sdelay $0x1  }
0xbb: {  	s10 =	simm.s32 $0x20;
	v1 =	vmul.f32 $1.442695020e+00, v1  }
0xbc: {  	v7 =	vld [tilespmem:s10+$0x1A80]  }
0xbd: {  	(erf) = vpow2.f32 v1;
	_ =	sdelay $0x2  }
0xbe: {  	s2 =	simm.s32 $0x30  }
0xbf: {  	v5 =	vld [tilespmem:s2+$0x1A80];
	v1 =	vand.u32 $0x7FFFFFFF, v7;
	v2 =	vpop (erf)  }
0xc0: {  	v1 =	vsub.f32 $0.0e+00, v1;
	v3 =	vadd.f32 $2.000000000e+00, v2;
	_ =	sdelay $0x1  }
0xc1: {  	v1 =	vmul.f32 $1.442695020e+00, v1;
	(erf) = vrcp.f32 v3;
	_ =	sdelay $0x1  }
0xc2: {  	(erf) = vpow2.f32 v1;
	v1 =	vand.u32 $0x7FFFFFFF, v5;
	v3 =	vpop (erf)  }
0xc3: {  	s10 =	simm.s32 $0x40;
	v1 =	vsub.f32 $0.0e+00, v1;
	v6 =	vadd.f32 $2.000000000e+00, v3  }
0xc4: {  	v4 =	vld [tilespmem:s10+$0x1A80]  }
0xc5: {  	v1 =	vmul.f32 $1.442695020e+00, v1;
	(erf) = vrcp.f32 v6;
	_ =	sdelay $0x1  }
0xc6: {  	(erf) = vpow2.f32 v1;
	_ =	sdelay $0x1  }
0xc7: {  	s2 =	simm.s32 $0x50;
	v9 =	vand.u32 $0x7FFFFFFF, v4;
	v1 =	vpop (erf)  }
0xc8: {  	v9 =	vsub.f32 $0.0e+00, v9;
	v6 =	vld [tilespmem:s2+$0x1A80];
	v13 =	vmul.f32 v1, v2  }
0xc9: {  	v10 =	vpop (erf)  }
0xca: {  	v11 =	vadd.f32 $2.000000000e+00, v10;
	v15 =	vmul.f32 v13, v13  }
0xcb: {  	v1 =	vmul.f32 $1.442695020e+00, v9  }
0xcc: {  	(erf) = vrcp.f32 v11;
	v2 =	vmul.f32 $1.111111120e-01, v15;
	v9 =	vpop (erf)  }
0xcd: {  	s10 =	simm.s32 $0x60;
	(erf) = vpow2.f32 v1;
	v1 =	vand.u32 $0x7FFFFFFF, v6;
	v23 =	vmul.f32 v9, v3  }
0xce: {  	v18 =	vpop (erf);
	v1 =	vsub.f32 $0.0e+00, v1;
	v3 =	vld [tilespmem:s10+$0x1A80];
	v2 =	vadd.f32 $1.428571490e-01, v2  }
0xcf: {  	v9 =	vadd.f32 $2.000000000e+00, v18;
	v12 =	vmul.f32 v23, v23  }
0xd0: {  	v1 =	vmul.f32 $1.442695020e+00, v1;
	v11 =	vmul.f32 v2, v15  }
0xd1: {  	s2 =	simm.s32 $0x70;
	(erf) = vrcp.f32 v9  }
0xd2: {  	v2 =	vld [tilespmem:s2+$0x1A80];
	v14 =	vmul.f32 $1.111111120e-01, v12;
	(erf) = vpow2.f32 v1;
	v1 =	vadd.f32 $2.000000030e-01, v11  }
0xd3: {  	v11 =	vand.u32 $0x7FFFFFFF, v3  }
0xd4: {  	v19 =	vsub.f32 $0.0e+00, v11;
	v17 =	vmul.f32 v1, v15  }
0xd5: {  	s10 =	simm.s32 $0x80;
	v16 =	vadd.f32 $1.428571490e-01, v14;
	v11 =	vimm.f32 $0.0e+00;
	v9 =	vpop (erf)  }
0xd6: {  	v1 =	vld [tilespmem:s10+$0x1A80];
	v9 =	vmul.f32 v9, v10;
	v14 =	vpop (erf);
	v19 =	vmul.f32 $1.442695020e+00, v19;
	v21 =	vadd.f32 $3.333333430e-01, v17  }
0xd7: {  	v16 =	vmul.f32 v16, v12;
	v22 =	vand.u32 $0x7FFFFFFF, v2;
	v20 =	vadd.f32 $2.000000000e+00, v14  }
0xd8: {  	v17 =	vadd.f32 v13, v13;
	v10 =	vmul.f32 v9, v9;
	v15 =	vmul.f32 v21, v15  }
0xd9: {  	v22 =	vsub.f32 $0.0e+00, v22;
	v24 =	vadd.f32 $2.000000030e-01, v16;
	(erf) = vrcp.f32 v20  }
0xda: {  	v16 =	vmin.f32 v0, $0.0e+00;
	v20 =	vmul.f32 $1.111111120e-01, v10;
	(erf) = vpow2.f32 v19;
	v13 =	vpop (erf)  }
0xdb: {  	v0 =	vand.u32 $0x7FFFFFFF, v1;
	v13 =	vmul.f32 v13, v18;
	v21 =	vadd.f32 $1.000000000e+00, v15  }
0xdc: {  	s1 =	simm.s32 $0x240;
	v18 =	vadd.f32 v23, v23;
	v19 =	vadd.f32 $1.428571490e-01, v20;
	v20 =	vmul.f32 v24, v12;
	v15 =	vpop (erf)  }
.LBB2_14:
0xdd: {  	v23 =	vadd.f32 $2.000000000e+00, v15;
	v24 =	vmul.f32 v13, v13;
	v27 =	vmul.f32 v21, v17;
	v25 =	vmovc v5;
	v5 =	vmovc v4  }
0xde: {  	s2 =	sshra.s32 s1, $0x2;
	p0 =	sne.s32 s1, $0x7C0;
	s1 =	sadd.s32 $0x40, s1;
	v4 =	vmovc v6;
	v6 =	vmovc v3;
	v3 =	vmov v2;
	v2 =	vmov v1;
	v21 =	vmov v14  }
0xdf: {  	v19 =	vmul.f32 v19, v10;
	v20 =	vadd.f32 $3.333333430e-01, v20;
	v14 =	vmovc v15;
	v26 =	vmovc v9;
	v1 =	vld [tilespmem:s2+$0x1A80];
	v22 =	vmul.f32 $1.442695020e+00, v22  }
.Ltmp6:
0xe0: {  	v9 =	vmovc v13;
	v17 =	vmovc v18;
	(erf) = vrcp.f32 v23;
	v28 =	vmul.f32 $1.111111120e-01, v24;
	v23 =	vsub.f32 v16, v27;
	(pc) =	sbr.rel @p0 .LBB2_14-.Ltmp6, $4  }
0xe1: {  	v18 =	vadd.f32 $2.000000030e-01, v19;
	(erf) = vpow2.f32 v22;
	v22 =	vmul.f32 v20, v12;
	v12 =	vmovc v10;
	v10 =	vmovc v24  }
0xe2: {  	v16 =	vmin.f32 v8, $0.0e+00;
	v13 =	vpop (erf);
	v19 =	vadd.f32 $1.428571490e-01, v28;
	v11 =	vadd.f32 v23, v11  }
0xe3: {  	v20 =	vmul.f32 v18, v12;
	v15 =	vpop (erf);
	v13 =	vmul.f32 v13, v21;
	v21 =	vadd.f32 $1.000000000e+00, v22  }
0xe4: {  	v8 =	vmovc v7;
	v7 =	vmovc v25;
	v18 =	vadd.f32 v26, v26;
	v22 =	vsub.f32 $0.0e+00, v0;
	v0 =	vand.u32 $0x7FFFFFFF, v1  }
0xe5: {  	_ =	sdelay $0x3  }
0xe6: {  	v23 =	vadd.f32 $2.000000000e+00, v15;
	v24 =	vpop (erf)  }
0xe7: {  	v0 =	vsub.f32 $0.0e+00, v0;
	v22 =	vmul.f32 $1.442695020e+00, v22;
	v25 =	vpop (erf)  }
0xe8: {  	(erf) = vrcp.f32 v23;
	v23 =	vadd.f32 $2.000000000e+00, v25  }
0xe9: {  	v0 =	vmul.f32 $1.442695020e+00, v0;
	(erf) = vpow2.f32 v22  }
0xea: {  	(erf) = vrcp.f32 v23  }
0xeb: {  	(erf) = vpow2.f32 v0;
	_ =	sdelay $0x5  }
0xec: {  	v22 =	vpop (erf)  }
0xed: {  	v23 =	vpop (erf)  }
0xee: {  	v26 =	vpop (erf)  }
0xef: {  	v0 =	vadd.f32 $2.000000000e+00, v23;
	v27 =	vpop (erf)  }
0xf0: {  	v28 =	vadd.f32 $2.000000000e+00, v27  }
0xf1: {  	(erf) = vrcp.f32 v0  }
0xf2: {  	(erf) = vrcp.f32 v28;
	_ =	sdelay $0x7  }
0xf3: {  	v63 =	vpop (erf)  }
0xf4: {  	v29 =	vpop (erf)  }
0xf5: {  	_ =	swait.ge [sflag:s22], $0x80  }
0xf6: {  	[sflag:s22] =	ssyncset.done $0x0  }
0xf7: {  	[sflag:s22] =	ssyncadd.s32 $0xFFFFFF80  }
0xf8: {  	v0 =	vld [tilespmem:$0xE00];
	_ =	swait.ge [sflag:s24], $0x80  }
0xf9: {  	[sflag:s24] =	ssyncset.done $0x0  }
0xfa: {  	v20 =	vadd.f32 $3.333333430e-01, v20;
	[sflag:s24] =	ssyncadd.s32 $0xFFFFFF80  }
0xfb: {  	v19 =	vmul.f32 v19, v10;
	v30 =	vmul.f32 v13, v13;
	_ =	swait.ge [sflag:s24], $0x80  }
0xfc: {  	v12 =	vmul.f32 v20, v12;
	[sflag:s24] =	ssyncset.done $0x0  }
0xfd: {  	v17 =	vmul.f32 v21, v17;
	v19 =	vadd.f32 $2.000000030e-01, v19;
	v20 =	vmul.f32 $1.111111120e-01, v30;
	[sflag:s24] =	ssyncadd.s32 $0xFFFFFF80  }
0xfe: {  	v12 =	vadd.f32 $1.000000000e+00, v12;
	v14 =	vmul.f32 v24, v14;
	_ =	swait.ge [sflag:s24], $0x80  }
0xff: {  	v16 =	vsub.f32 v16, v17;
	v19 =	vmul.f32 v19, v10;
	v17 =	vadd.f32 $1.428571490e-01, v20;
	[sflag:s24] =	ssyncset.done $0x0  }
0x100: {  	v12 =	vmul.f32 v12, v18;
	v20 =	vmul.f32 v14, v14;
	[sflag:s24] =	ssyncadd.s32 $0xFFFFFF80  }
0x101: {  	v8 =	vmin.f32 v8, $0.0e+00;
	v11 =	vadd.f32 v16, v11;
	v16 =	vmul.f32 v17, v30;
	_ =	swait.ge [sflag:s24], $0x80  }
0x102: {  	v18 =	vadd.f32 $3.333333430e-01, v19;
	v8 =	vsub.f32 v8, v12;
	v12 =	vmul.f32 $1.111111120e-01, v20;
	[sflag:s24] =	ssyncset.done $0x0  }
0x103: {  	s1 =	simm.s32 $0x0;
	v17 =	vadd.f32 v9, v9;
	v9 =	vadd.f32 $2.000000030e-01, v16;
	v15 =	vmul.f32 v22, v15;
	[sflag:s24] =	ssyncadd.s32 $0xFFFFFF80  }
0x104: {  	v10 =	vmul.f32 v18, v10;
	v12 =	vadd.f32 $1.428571490e-01, v12;
	v19 =	vld [tilespmem:s1+$0x1C80]  }
0x105: {  	v16 =	vmul.f32 v9, v30;
	v8 =	vadd.f32 v8, v11;
	v11 =	vmul.f32 v15, v15  }
0x106: {  	v10 =	vadd.f32 $1.000000000e+00, v10;
	v12 =	vmul.f32 v12, v20  }
0x107: {  	v7 =	vmin.f32 v7, $0.0e+00;
	v16 =	vadd.f32 $3.333333430e-01, v16;
	v18 =	vmul.f32 $1.111111120e-01, v11  }
0x108: {  	v13 =	vadd.f32 v13, v13;
	v10 =	vmul.f32 v10, v17;
	v12 =	vadd.f32 $2.000000030e-01, v12  }
0x109: {  	s10 =	simm.s32 $0x10;
	v16 =	vmul.f32 v16, v30;
	v18 =	vadd.f32 $1.428571490e-01, v18;
	v9 =	vsub.f32 $0.0e+00, v19  }
0x10a: {  	v21 =	vmin.f32 v5, $0.0e+00;
	v7 =	vsub.f32 v7, v10;
	v12 =	vmul.f32 v12, v20;
	v10 =	vld [tilespmem:s10+$0x1C80]  }
0x10b: {  	v5 =	vadd.f32 $1.000000000e+00, v16;
	v16 =	vmul.f32 v18, v11;
	v17 =	vand.u32 $0x7FFFFFFF, v9  }
0x10c: {  	v12 =	vadd.f32 $3.333333430e-01, v12;
	v17 =	vsub.f32 $0.0e+00, v17  }
0x10d: {  	v13 =	vmul.f32 v5, v13;
	v16 =	vadd.f32 $2.000000030e-01, v16  }
0x10e: {  	v12 =	vmul.f32 v12, v20;
	v20 =	vmin.f32 v4, $0.0e+00;
	v17 =	vmul.f32 $1.442695020e+00, v17  }
0x10f: {  	v4 =	vmul.f32 v16, v11;
	v19 =	vmul.f32 v26, v25;
	v5 =	vsub.f32 $0.0e+00, v10  }
0x110: {  	v7 =	vadd.f32 v7, v8;
	v13 =	vsub.f32 v21, v13;
	(erf) = vpow2.f32 v17  }
0x111: {  	s2 =	simm.s32 $0x20;
	v21 =	vadd.f32 $3.333333430e-01, v4;
	v8 =	vmul.f32 v19, v19;
	v18 =	vand.u32 $0x7FFFFFFF, v5  }
0x112: {  	v7 =	vadd.f32 v13, v7;
	v13 =	vmul.f32 v63, v23;
	v18 =	vsub.f32 $0.0e+00, v18;
	v17 =	vld [tilespmem:s2+$0x1C80]  }
0x113: {  	v11 =	vmul.f32 v21, v11;
	v10 =	vadd.f32 v14, v14;
	v14 =	vmul.f32 $1.111111120e-01, v8  }
0x114: {  	v12 =	vadd.f32 $1.000000000e+00, v12;
	v16 =	vmul.f32 $1.442695020e+00, v18;
	v18 =	vmul.f32 v13, v13  }
0x115: {  	v15 =	vadd.f32 v15, v15;
	v14 =	vadd.f32 $1.428571490e-01, v14  }
0x116: {  	v11 =	vadd.f32 $1.000000000e+00, v11;
	v10 =	vmul.f32 v12, v10;
	v12 =	vmul.f32 $1.111111120e-01, v18  }
0x117: {  	v14 =	vmul.f32 v14, v8;
	(erf) = vpow2.f32 v16;
	v4 =	vsub.f32 $0.0e+00, v17  }
0x118: {  	v11 =	vmul.f32 v11, v15;
	v10 =	vsub.f32 v20, v10  }
0x119: {  	v12 =	vadd.f32 $1.428571490e-01, v12;
	v14 =	vadd.f32 $2.000000030e-01, v14;
	v21 =	vand.u32 $0x7FFFFFFF, v4;
	v16 =	vpop (erf)  }
0x11a: {  	s10 =	simm.s32 $0x30;
	v20 =	vmul.f32 v29, v27;
	v21 =	vsub.f32 $0.0e+00, v21;
	v17 =	vadd.f32 $2.000000000e+00, v16  }
0x11b: {  	v22 =	vld [tilespmem:s10+$0x1C80];
	v12 =	vmul.f32 v12, v18;
	v14 =	vmul.f32 v14, v8  }
0x11c: {  	(erf) = vrcp.f32 v17;
	v17 =	vmul.f32 $1.442695020e+00, v21  }
0x11d: {  	v6 =	vmin.f32 v6, $0.0e+00;
	v14 =	vadd.f32 $3.333333430e-01, v14;
	v21 =	vmul.f32 v20, v20  }
0x11e: {  	v6 =	vsub.f32 v6, v11;
	(erf) = vpow2.f32 v17  }
0x11f: {  	v10 =	vadd.f32 v10, v7;
	v8 =	vmul.f32 v14, v8;
	v14 =	vmul.f32 $1.111111120e-01, v21  }
0x120: {  	v7 =	vsub.f32 $0.0e+00, v22;
	v11 =	vadd.f32 $2.000000030e-01, v12;
	v12 =	vpop (erf)  }
0x121: {  	s2 =	simm.s32 $0x40;
	v17 =	vadd.f32 $2.000000000e+00, v12;
	v14 =	vadd.f32 $1.428571490e-01, v14  }
0x122: {  	v15 =	vadd.f32 v19, v19;
	v19 =	vand.u32 $0x7FFFFFFF, v7;
	v22 =	vld [tilespmem:s2+$0x1C80];
	v8 =	vadd.f32 $1.000000000e+00, v8  }
0x123: {  	v19 =	vsub.f32 $0.0e+00, v19;
	v11 =	vmul.f32 v11, v18;
	(erf) = vrcp.f32 v17  }
0x124: {  	v10 =	vadd.f32 v6, v10;
	v8 =	vmul.f32 v8, v15;
	v6 =	vmul.f32 v14, v21  }
0x125: {  	v3 =	vmin.f32 v3, $0.0e+00;
	v11 =	vadd.f32 $3.333333430e-01, v11;
	v15 =	vmul.f32 $1.442695020e+00, v19;
	v14 =	vpop (erf)  }
0x126: {  	v3 =	vsub.f32 v3, v8;
	v8 =	vadd.f32 $2.000000030e-01, v6;
	v16 =	vmul.f32 v14, v16  }
0x127: {  	v11 =	vmul.f32 v11, v18;
	v6 =	vsub.f32 $0.0e+00, v22;
	(erf) = vpow2.f32 v15;
	v17 =	vpop (erf)  }
0x128: {  	v8 =	vmul.f32 v8, v21;
	v15 =	vmul.f32 v16, v16;
	v14 =	vadd.f32 $2.000000000e+00, v17  }
0x129: {  	v2 =	vmin.f32 v2, $0.0e+00;
	s10 =	simm.s32 $0x50;
	v13 =	vadd.f32 v13, v13;
	v11 =	vadd.f32 $1.000000000e+00, v11  }
0x12a: {  	v19 =	vand.u32 $0x7FFFFFFF, v6;
	v8 =	vadd.f32 $3.333333430e-01, v8;
	v18 =	vmul.f32 $1.111111120e-01, v15  }
0x12b: {  	v10 =	vadd.f32 v3, v10;
	v3 =	vmul.f32 v11, v13;
	v22 =	vld [tilespmem:s10+$0x1C80];
	v19 =	vsub.f32 $0.0e+00, v19  }
0x12c: {  	(erf) = vrcp.f32 v14;
	v8 =	vmul.f32 v8, v21;
	v11 =	vadd.f32 $1.428571490e-01, v18;
	v14 =	vpop (erf)  }
0x12d: {  	v2 =	vsub.f32 v2, v3;
	v18 =	vmul.f32 $1.442695020e+00, v19;
	v3 =	vmul.f32 v14, v12  }
0x12e: {  	v13 =	vadd.f32 v20, v20;
	v12 =	vmul.f32 v11, v15  }
0x12f: {  	v19 =	vadd.f32 $1.000000000e+00, v8;
	(erf) = vpow2.f32 v18;
	v11 =	vmul.f32 v3, v3  }
0x130: {  	v2 =	vadd.f32 v2, v10;
	v8 =	vsub.f32 $0.0e+00, v22  }
0x131: {  	s2 =	simm.s32 $0x60;
	v14 =	vpop (erf);
	v10 =	vmul.f32 v19, v13;
	v12 =	vadd.f32 $2.000000030e-01, v12;
	v19 =	vmul.f32 $1.111111120e-01, v11  }
0x132: {  	v1 =	vmin.f32 v1, $0.0e+00;
	v18 =	vld [tilespmem:s2+$0x1C80];
	v20 =	vand.u32 $0x7FFFFFFF, v8;
	v13 =	vadd.f32 $2.000000000e+00, v14  }
0x133: {  	v1 =	vsub.f32 v1, v10;
	v10 =	vsub.f32 $0.0e+00, v20;
	v12 =	vmul.f32 v12, v15  }
0x134: {  	(erf) = vrcp.f32 v13;
	v13 =	vadd.f32 $1.428571490e-01, v19  }
0x135: {  	v21 =	vmul.f32 $1.442695020e+00, v10;
	v20 =	vadd.f32 $3.333333430e-01, v12;
	v19 =	vpop (erf)  }
0x136: {  	v1 =	vadd.f32 v1, v2;
	v10 =	vmul.f32 v19, v17;
	v17 =	vmul.f32 v13, v11  }
0x137: {  	v2 =	vsub.f32 $0.0e+00, v18;
	(erf) = vpow2.f32 v21;
	v19 =	vmul.f32 v20, v15  }
0x138: {  	s10 =	simm.s32 $0x70;
	v20 =	vadd.f32 v16, v16;
	v15 =	vpop (erf);
	v13 =	vmul.f32 v10, v10;
	v17 =	vadd.f32 $2.000000030e-01, v17  }
0x139: {  	v16 =	vmin.f32 v9, $0.0e+00;
	v9 =	vld [tilespmem:s10+$0x1C80];
	v19 =	vadd.f32 $1.000000000e+00, v19;
	v21 =	vadd.f32 $2.000000000e+00, v15  }
0x13a: {  	v22 =	vmul.f32 $1.111111120e-01, v13;
	v18 =	vmul.f32 v17, v11  }
0x13b: {  	v23 =	vand.u32 $0x7FFFFFFF, v2;
	v17 =	vmul.f32 v19, v20;
	(erf) = vrcp.f32 v21  }
0x13c: {  	s1 =	simm.s32 $0x200;
	v12 =	vimm.f32 $0.0e+00;
	v20 =	vsub.f32 $0.0e+00, v23;
	v19 =	vadd.f32 $1.428571490e-01, v22  }
.LBB2_16:
0x13d: {  	p0 =	sne.s32 s1, $0x7C0;
	v21 =	vpop (erf);
	v18 =	vadd.f32 $3.333333430e-01, v18;
	v16 =	vsub.f32 v16, v17  }
0x13e: {  	v22 =	vsub.f32 $0.0e+00, v9;
	v9 =	vmul.f32 $1.442695020e+00, v20;
	v17 =	vmul.f32 v21, v14;
	v14 =	vmovc v15  }
0x13f: {  	v19 =	vmul.f32 v19, v13;
	v18 =	vmul.f32 v18, v11;
	v12 =	vadd.f32 v16, v12;
	v11 =	vmovc v13  }
.Ltmp7:
0x140: {  	s2 =	sshra.s32 s1, $0x2;
	v20 =	vadd.f32 v3, v3;
	v3 =	vmovc v10;
	(erf) = vpow2.f32 v9;
	v13 =	vmul.f32 v17, v17;
	v10 =	vmovc v17;
	(pc) =	sbr.rel @p0 .LBB2_16-.Ltmp7, $4  }
0x141: {  	v17 =	vadd.f32 $2.000000030e-01, v19;
	v9 =	vld [tilespmem:s2+$0x1C80];
	v15 =	vpop (erf);
	v19 =	vadd.f32 $1.000000000e+00, v18  }
0x142: {  	v16 =	vmin.f32 v5, $0.0e+00;
	v5 =	vmovc v4;
	v4 =	vmovc v7;
	v21 =	vadd.f32 $2.000000000e+00, v15;
	v23 =	vmul.f32 $1.111111120e-01, v13  }
0x143: {  	v7 =	vmovc v6;
	v6 =	vmovc v8;
	v24 =	vand.u32 $0x7FFFFFFF, v22;
	v18 =	vmul.f32 v17, v11;
	v17 =	vmul.f32 v19, v20  }
0x144: {  	s1 =	sadd.s32 $0x40, s1;
	v8 =	vmovc v2;
	v2 =	vmovc v22;
	v20 =	vsub.f32 $0.0e+00, v24;
	(erf) = vrcp.f32 v21;
	v19 =	vadd.f32 $1.428571490e-01, v23  }
0x145: {  	_ = 	snop  }
0x146: {  	v9 =	vsub.f32 $0.0e+00, v9;
	_ =	sdelay $0x1  }
0x147: {  	v21 =	vpop (erf);
	v22 =	vand.u32 $0x7FFFFFFF, v9  }
0x148: {  	v20 =	vmul.f32 $1.442695020e+00, v20;
	v23 =	vpop (erf);
	v22 =	vsub.f32 $0.0e+00, v22  }
0x149: {  	v24 =	vadd.f32 $2.000000000e+00, v23  }
0x14a: {  	(erf) = vpow2.f32 v20;
	v20 =	vmul.f32 $1.442695020e+00, v22  }
0x14b: {  	(erf) = vrcp.f32 v24  }
0x14c: {  	(erf) = vpow2.f32 v20;
	_ =	sdelay $0x5  }
0x14d: {  	v20 =	vpop (erf)  }
0x14e: {  	v22 =	vpop (erf)  }
0x14f: {  	v24 =	vpop (erf)  }
0x150: {  	v25 =	vadd.f32 $2.000000000e+00, v22;
	v26 =	vpop (erf)  }
0x151: {  	v27 =	vadd.f32 $2.000000000e+00, v26  }
0x152: {  	(erf) = vrcp.f32 v25  }
0x153: {  	(erf) = vrcp.f32 v27;
	_ =	sdelay $0x7  }
0x154: {  	v25 =	vpop (erf)  }
0x155: {  	v27 =	vpop (erf)  }
0x156: {  	_ =	swait.ge [sflag:s25], $0x80  }
0x157: {  	[sflag:s25] =	ssyncset.done $0x0  }
0x158: {  	[sflag:s25] =	ssyncadd.s32 $0xFFFFFF80  }
0x159: {  	_ =	swait.ge [sflag:s25], $0x80  }
0x15a: {  	[sflag:s25] =	ssyncset.done $0x0  }
0x15b: {  	v14 =	vmul.f32 v21, v14;
	[sflag:s25] =	ssyncadd.s32 $0xFFFFFF80  }
0x15c: {  	v18 =	vadd.f32 $3.333333430e-01, v18;
	_ =	swait.ge [sflag:s25], $0x80  }
0x15d: {  	v19 =	vmul.f32 v19, v13;
	v21 =	vmul.f32 v14, v14;
	[sflag:s25] =	ssyncset.done $0x0  }
0x15e: {  	v11 =	vmul.f32 v18, v11;
	[sflag:s25] =	ssyncadd.s32 $0xFFFFFF80  }
0x15f: {  	v18 =	vadd.f32 $2.000000030e-01, v19;
	v19 =	vmul.f32 $1.111111120e-01, v21;
	_ =	swait.ge [sflag:s25], $0x80  }
0x160: {  	s1 =	simm.s32 $0x0;
	v3 =	vadd.f32 v3, v3;
	v11 =	vadd.f32 $1.000000000e+00, v11;
	[sflag:s25] =	ssyncset.done $0x0  }
0x161: {  	s1 =	sand.u32 $0x1F0, s1;
	v18 =	vmul.f32 v18, v13;
	v19 =	vadd.f32 $1.428571490e-01, v19;
	[sflag:s25] =	ssyncadd.s32 $0xFFFFFF80  }
0x162: {  	v16 =	vsub.f32 v16, v17;
	v3 =	vmul.f32 v11, v3;
	v11 =	vmul.f32 v20, v15;
	v28 =	vld [tilespmem:s1+$0x1E80]  }
0x163: {  	v5 =	vmin.f32 v5, $0.0e+00;
	v17 =	vmul.f32 v19, v21;
	v15 =	vadd.f32 $3.333333430e-01, v18  }
0x164: {  	v12 =	vadd.f32 v16, v12;
	v3 =	vsub.f32 v5, v3;
	v16 =	vmul.f32 v11, v11  }
0x165: {  	v13 =	vmul.f32 v15, v13;
	v15 =	vadd.f32 $2.000000030e-01, v17  }
0x166: {  	v10 =	vadd.f32 v10, v10;
	v3 =	vadd.f32 v3, v12;
	v12 =	vmul.f32 $1.111111120e-01, v16  }
0x167: {  	v13 =	vadd.f32 $1.000000000e+00, v13;
	v15 =	vmul.f32 v15, v21;
	v5 =	vsub.f32 $0.0e+00, v28  }
0x168: {  	s10 =	simm.s32 $0x10;
	v12 =	vadd.f32 $1.428571490e-01, v12  }
0x169: {  	v10 =	vmul.f32 v13, v10;
	v15 =	vadd.f32 $3.333333430e-01, v15;
	s1 =	sand.u32 $0x1F0, s10;
	v17 =	vand.u32 $0x7FFFFFFF, v5  }
0x16a: {  	v4 =	vmin.f32 v4, $0.0e+00;
	v13 =	vmul.f32 v24, v23;
	v18 =	vld [tilespmem:s1+$0x1E80];
	v17 =	vsub.f32 $0.0e+00, v17  }
0x16b: {  	v12 =	vmul.f32 v12, v16;
	v10 =	vsub.f32 v4, v10;
	v4 =	vmul.f32 v15, v21  }
0x16c: {  	v14 =	vadd.f32 v14, v14;
	v15 =	vmul.f32 v13, v13;
	v17 =	vmul.f32 $1.442695020e+00, v17  }
0x16d: {  	v12 =	vadd.f32 $2.000000030e-01, v12;
	v3 =	vadd.f32 v10, v3  }
0x16e: {  	v10 =	vmul.f32 $1.111111120e-01, v15;
	(erf) = vpow2.f32 v17;
	v17 =	vadd.f32 $1.000000000e+00, v4  }
0x16f: {  	v12 =	vmul.f32 v12, v16;
	v4 =	vsub.f32 $0.0e+00, v18  }
0x170: {  	s2 =	simm.s32 $0x20;
	v10 =	vadd.f32 $1.428571490e-01, v10;
	v14 =	vmul.f32 v17, v14  }
0x171: {  	v7 =	vmin.f32 v7, $0.0e+00;
	v12 =	vadd.f32 $3.333333430e-01, v12;
	s1 =	sand.u32 $0x1F0, s2;
	v18 =	vand.u32 $0x7FFFFFFF, v4  }
0x172: {  	v17 =	vld [tilespmem:s1+$0x1E80];
	v18 =	vsub.f32 $0.0e+00, v18;
	v7 =	vsub.f32 v7, v14;
	v14 =	vmul.f32 v25, v22  }
0x173: {  	v10 =	vmul.f32 v10, v15;
	v12 =	vmul.f32 v12, v16  }
0x174: {  	v18 =	vmul.f32 $1.442695020e+00, v18;
	v16 =	vadd.f32 v7, v3;
	v19 =	vmul.f32 v14, v14  }
0x175: {  	v7 =	vadd.f32 $2.000000030e-01, v10;
	v10 =	vadd.f32 v11, v11  }
0x176: {  	s10 =	simm.s32 $0x30;
	v11 =	vadd.f32 $1.000000000e+00, v12;
	(erf) = vpow2.f32 v18;
	v12 =	vmul.f32 $1.111111120e-01, v19  }
0x177: {  	s1 =	sand.u32 $0x1F0, s10;
	v3 =	vsub.f32 $0.0e+00, v17;
	v7 =	vmul.f32 v7, v15;
	v17 =	vpop (erf)  }
0x178: {  	v10 =	vmul.f32 v11, v10;
	v18 =	vadd.f32 $2.000000000e+00, v17;
	v11 =	vadd.f32 $1.428571490e-01, v12;
	v12 =	vld [tilespmem:s1+$0x1E80]  }
0x179: {  	v21 =	vmul.f32 v27, v26;
	v20 =	vand.u32 $0x7FFFFFFF, v3;
	v7 =	vadd.f32 $3.333333430e-01, v7  }
0x17a: {  	v6 =	vmin.f32 v6, $0.0e+00;
	v20 =	vsub.f32 $0.0e+00, v20;
	(erf) = vrcp.f32 v18  }
0x17b: {  	v6 =	vsub.f32 v6, v10;
	v10 =	vmul.f32 v21, v21;
	v7 =	vmul.f32 v7, v15  }
0x17c: {  	v13 =	vadd.f32 v13, v13;
	v11 =	vmul.f32 v11, v19;
	v18 =	vmul.f32 $1.442695020e+00, v20  }
0x17d: {  	v15 =	vadd.f32 $1.000000000e+00, v7;
	v7 =	vsub.f32 $0.0e+00, v12;
	v12 =	vmul.f32 $1.111111120e-01, v10  }
0x17e: {  	s2 =	simm.s32 $0x40;
	v11 =	vadd.f32 $2.000000030e-01, v11;
	(erf) = vpow2.f32 v18  }
0x17f: {  	s1 =	sand.u32 $0x1F0, s2;
	v6 =	vadd.f32 v6, v16;
	v16 =	vpop (erf);
	v13 =	vmul.f32 v15, v13;
	v12 =	vadd.f32 $1.428571490e-01, v12  }
0x180: {  	v20 =	vld [tilespmem:s1+$0x1E80];
	v11 =	vmul.f32 v11, v19;
	v15 =	vadd.f32 $2.000000000e+00, v16;
	v18 =	vand.u32 $0x7FFFFFFF, v7  }
0x181: {  	v8 =	vmin.f32 v8, $0.0e+00;
	v18 =	vsub.f32 $0.0e+00, v18;
	v12 =	vmul.f32 v12, v10  }
0x182: {  	v11 =	vadd.f32 $3.333333430e-01, v11;
	v8 =	vsub.f32 v8, v13;
	(erf) = vrcp.f32 v15  }
0x183: {  	v15 =	vmul.f32 $1.442695020e+00, v18;
	v13 =	vpop (erf);
	v12 =	vadd.f32 $2.000000030e-01, v12  }
0x184: {  	v11 =	vmul.f32 v11, v19;
	v8 =	vadd.f32 v8, v6;
	v17 =	vmul.f32 v13, v17  }
0x185: {  	v6 =	vsub.f32 $0.0e+00, v20;
	v13 =	vadd.f32 v14, v14;
	v12 =	vmul.f32 v12, v10  }
0x186: {  	(erf) = vpow2.f32 v15;
	v11 =	vadd.f32 $1.000000000e+00, v11;
	v15 =	vmul.f32 v17, v17  }
0x187: {  	v19 =	vand.u32 $0x7FFFFFFF, v6;
	v14 =	vpop (erf);
	v12 =	vadd.f32 $3.333333430e-01, v12  }
0x188: {  	s10 =	simm.s32 $0x50;
	v18 =	vadd.f32 $2.000000000e+00, v14;
	v11 =	vmul.f32 v11, v13;
	v13 =	vmul.f32 $1.111111120e-01, v15  }
0x189: {  	v2 =	vmin.f32 v2, $0.0e+00;
	s1 =	sand.u32 $0x1F0, s10;
	v19 =	vsub.f32 $0.0e+00, v19  }
0x18a: {  	v20 =	vld [tilespmem:s1+$0x1E80];
	(erf) = vrcp.f32 v18;
	v2 =	vsub.f32 v2, v11;
	v11 =	vadd.f32 $1.428571490e-01, v13  }
0x18b: {  	v10 =	vmul.f32 v12, v10;
	v13 =	vmul.f32 $1.442695020e+00, v19;
	v12 =	vpop (erf)  }
0x18c: {  	v2 =	vadd.f32 v2, v8;
	v8 =	vmul.f32 v12, v16;
	v11 =	vmul.f32 v11, v15  }
0x18d: {  	v18 =	vadd.f32 v21, v21;
	v19 =	vadd.f32 $1.000000000e+00, v10  }
0x18e: {  	(erf) = vpow2.f32 v13;
	v12 =	vmul.f32 v8, v8;
	v11 =	vadd.f32 $2.000000030e-01, v11  }
0x18f: {  	v9 =	vmin.f32 v9, $0.0e+00;
	v10 =	vsub.f32 $0.0e+00, v20;
	v16 =	vpop (erf);
	v13 =	vmul.f32 v19, v18  }
0x190: {  	s2 =	simm.s32 $0x60;
	v18 =	vadd.f32 $2.000000000e+00, v16;
	v20 =	vmul.f32 $1.111111120e-01, v12;
	v11 =	vmul.f32 v11, v15  }
0x191: {  	s1 =	sand.u32 $0x1F0, s2;
	v21 =	vand.u32 $0x7FFFFFFF, v10;
	v9 =	vsub.f32 v9, v13  }
0x192: {  	v19 =	vld [tilespmem:s1+$0x1E80];
	(erf) = vrcp.f32 v18;
	v18 =	vadd.f32 $1.428571490e-01, v20;
	v11 =	vadd.f32 $3.333333430e-01, v11  }
0x193: {  	v13 =	vsub.f32 $0.0e+00, v21  }
0x194: {  	v2 =	vadd.f32 v9, v2;
	v20 =	vpop (erf);
	v18 =	vmul.f32 v18, v12;
	v11 =	vmul.f32 v11, v15  }
0x195: {  	v21 =	vmul.f32 $1.442695020e+00, v13;
	v13 =	vmul.f32 v20, v14;
	v20 =	vadd.f32 v17, v17  }
0x196: {  	s10 =	simm.s32 $0x70;
	v18 =	vadd.f32 $2.000000030e-01, v18;
	v11 =	vadd.f32 $1.000000000e+00, v11  }
0x197: {  	s1 =	sand.u32 $0x1F0, s10;
	v9 =	vsub.f32 $0.0e+00, v19;
	(erf) = vpow2.f32 v21;
	v17 =	vpop (erf);
	v15 =	vmul.f32 v13, v13  }
0x198: {  	v22 =	vadd.f32 $2.000000000e+00, v17;
	v19 =	vmul.f32 v18, v12;
	v18 =	vmul.f32 v11, v20;
	v11 =	vld [tilespmem:s1+$0x1E80]  }
0x199: {  	v23 =	vmul.f32 $1.111111120e-01, v15  }
0x19a: {  	v5 =	vmin.f32 v5, $0.0e+00;
	v21 =	vand.u32 $0x7FFFFFFF, v9;
	(erf) = vrcp.f32 v22  }
0x19b: {  	v14 =	vimm.f32 $0.0e+00;
	v21 =	vsub.f32 $0.0e+00, v21;
	s1 =	simm.s32 $0x80;
	v20 =	vadd.f32 $1.428571490e-01, v23  }
.LBB2_18:
0x19c: {  	p0 =	sne.s32 s1, $0x1F0;
	v22 =	vpop (erf);
	v19 =	vadd.f32 $3.333333430e-01, v19;
	v5 =	vsub.f32 v5, v18  }
0x19d: {  	v23 =	vsub.f32 $0.0e+00, v11;
	v11 =	vmul.f32 $1.442695020e+00, v21;
	v18 =	vmul.f32 v22, v16;
	v16 =	vmovc v17  }
0x19e: {  	v20 =	vmul.f32 v20, v15;
	v19 =	vmul.f32 v19, v12;
	v14 =	vadd.f32 v5, v14;
	v12 =	vmovc v15  }
.Ltmp8:
0x19f: {  	s2 =	sand.u32 $0x1F0, s1;
	v21 =	vadd.f32 v8, v8;
	v8 =	vmovc v13;
	(erf) = vpow2.f32 v11;
	v15 =	vmul.f32 v18, v18;
	v13 =	vmovc v18;
	(pc) =	sbr.rel @p0 .LBB2_18-.Ltmp8, $4  }
0x1a0: {  	v18 =	vadd.f32 $2.000000030e-01, v20;
	v11 =	vld [tilespmem:s2+$0x1E80];
	v17 =	vpop (erf);
	v20 =	vadd.f32 $1.000000000e+00, v19  }
0x1a1: {  	v5 =	vmin.f32 v4, $0.0e+00;
	v4 =	vmovc v3;
	v3 =	vmovc v7;
	v22 =	vadd.f32 $2.000000000e+00, v17;
	v24 =	vmul.f32 $1.111111120e-01, v15  }
0x1a2: {  	v7 =	vmovc v6;
	v6 =	vmovc v10;
	v25 =	vand.u32 $0x7FFFFFFF, v23;
	v19 =	vmul.f32 v18, v12;
	v18 =	vmul.f32 v20, v21  }
0x1a3: {  	s1 =	sadd.s32 $0x10, s1;
	v10 =	vmovc v9;
	v9 =	vmovc v23;
	v21 =	vsub.f32 $0.0e+00, v25;
	(erf) = vrcp.f32 v22;
	v20 =	vadd.f32 $1.428571490e-01, v24  }
0x1a4: {  	_ = 	snop  }
0x1a5: {  	v11 =	vsub.f32 $0.0e+00, v11;
	_ =	sdelay $0x1  }
0x1a6: {  	v22 =	vpop (erf);
	v23 =	vand.u32 $0x7FFFFFFF, v11  }
0x1a7: {  	v21 =	vmul.f32 $1.442695020e+00, v21;
	v24 =	vpop (erf);
	v23 =	vsub.f32 $0.0e+00, v23  }
0x1a8: {  	v25 =	vadd.f32 $2.000000000e+00, v24  }
0x1a9: {  	(erf) = vpow2.f32 v21;
	v21 =	vmul.f32 $1.442695020e+00, v23  }
0x1aa: {  	(erf) = vrcp.f32 v25  }
0x1ab: {  	(erf) = vpow2.f32 v21;
	_ =	sdelay $0x5  }
0x1ac: {  	v21 =	vpop (erf)  }
0x1ad: {  	v23 =	vpop (erf)  }
0x1ae: {  	v25 =	vpop (erf)  }
0x1af: {  	v26 =	vadd.f32 $2.000000000e+00, v23;
	v27 =	vpop (erf)  }
0x1b0: {  	v28 =	vadd.f32 $2.000000000e+00, v27  }
0x1b1: {  	(erf) = vrcp.f32 v26  }
0x1b2: {  	(erf) = vrcp.f32 v28;
	_ =	sdelay $0x7  }
0x1b3: {  	v26 =	vpop (erf)  }
0x1b4: {  	v28 =	vpop (erf)  }
0x1b5: {  	_ =	swait.ge [sflag:s26], $0x80  }
0x1b6: {  	[sflag:s26] =	ssyncset.done $0x0  }
0x1b7: {  	v16 =	vmul.f32 v22, v16;
	[sflag:s26] =	ssyncadd.s32 $0xFFFFFF80  }
0x1b8: {  	v19 =	vadd.f32 $3.333333430e-01, v19;
	_ =	swait.ge [sflag:s26], $0x80  }
0x1b9: {  	v20 =	vmul.f32 v20, v15;
	v22 =	vmul.f32 v16, v16;
	[sflag:s26] =	ssyncset.done $0x0  }
0x1ba: {  	v12 =	vmul.f32 v19, v12;
	[sflag:s26] =	ssyncadd.s32 $0xFFFFFF80  }
0x1bb: {  	v19 =	vadd.f32 $2.000000030e-01, v20;
	v20 =	vmul.f32 $1.111111120e-01, v22;
	_ =	swait.ge [sflag:s26], $0x80  }
0x1bc: {  	v8 =	vadd.f32 v8, v8;
	v12 =	vadd.f32 $1.000000000e+00, v12;
	[sflag:s26] =	ssyncset.done $0x0  }
0x1bd: {  	v19 =	vmul.f32 v19, v15;
	v20 =	vadd.f32 $1.428571490e-01, v20;
	[sflag:s26] =	ssyncadd.s32 $0xFFFFFF80  }
0x1be: {  	v5 =	vsub.f32 v5, v18;
	v8 =	vmul.f32 v12, v8;
	_ =	swait.ge [sflag:s26], $0x80  }
0x1bf: {  	s1 =	simm.s32 $0x0;
	v4 =	vmin.f32 v4, $0.0e+00;
	v12 =	vadd.f32 $3.333333430e-01, v19;
	v18 =	vmul.f32 v20, v22;
	[sflag:s26] =	ssyncset.done $0x0  }
0x1c0: {  	s1 =	sand.u32 $0x1F0, s1;
	v5 =	vadd.f32 v5, v14;
	v4 =	vsub.f32 v4, v8;
	v17 =	vmul.f32 v21, v17;
	[sflag:s26] =	ssyncadd.s32 $0xFFFFFF80  }
0x1c1: {  	v14 =	vmul.f32 v12, v15;
	v15 =	vadd.f32 $2.000000030e-01, v18;
	v29 =	vld [tilespmem:s1+$0x2080]  }
0x1c2: {  	v4 =	vadd.f32 v4, v5;
	v8 =	vmul.f32 v17, v17  }
0x1c3: {  	v5 =	vadd.f32 v13, v13;
	v14 =	vadd.f32 $1.000000000e+00, v14;
	v15 =	vmul.f32 v15, v22  }
0x1c4: {  	v13 =	vmul.f32 $1.111111120e-01, v8  }
0x1c5: {  	v3 =	vmin.f32 v3, $0.0e+00;
	v5 =	vmul.f32 v14, v5;
	v15 =	vadd.f32 $3.333333430e-01, v15  }
0x1c6: {  	s10 =	simm.s32 $0x10;
	v13 =	vadd.f32 $1.428571490e-01, v13;
	v14 =	vmul.f32 v25, v24;
	v12 =	vsub.f32 $0.0e+00, v29  }
0x1c7: {  	v3 =	vsub.f32 v3, v5;
	v5 =	vmul.f32 v15, v22;
	s1 =	sand.u32 $0x1F0, s10  }
0x1c8: {  	v13 =	vmul.f32 v13, v8;
	v15 =	vmul.f32 v14, v14;
	v19 =	vld [tilespmem:s1+$0x2080];
	v18 =	vand.u32 $0x7FFFFFFF, v12  }
0x1c9: {  	v18 =	vsub.f32 $0.0e+00, v18  }
0x1ca: {  	v3 =	vadd.f32 v3, v4;
	v13 =	vadd.f32 $2.000000030e-01, v13;
	v4 =	vmul.f32 $1.111111120e-01, v15  }
0x1cb: {  	v18 =	vmul.f32 $1.442695020e+00, v18  }
0x1cc: {  	v13 =	vmul.f32 v13, v8;
	v4 =	vadd.f32 $1.428571490e-01, v4  }
0x1cd: {  	(erf) = vpow2.f32 v18;
	v18 =	vadd.f32 $1.000000000e+00, v5;
	v5 =	vsub.f32 $0.0e+00, v19  }
0x1ce: {  	v16 =	vadd.f32 v16, v16  }
0x1cf: {  	s2 =	simm.s32 $0x20;
	v13 =	vadd.f32 $3.333333430e-01, v13;
	v4 =	vmul.f32 v4, v15;
	v19 =	vand.u32 $0x7FFFFFFF, v5  }
0x1d0: {  	s1 =	sand.u32 $0x1F0, s2;
	v16 =	vmul.f32 v18, v16;
	v19 =	vsub.f32 $0.0e+00, v19  }
0x1d1: {  	v7 =	vmin.f32 v7, $0.0e+00;
	v8 =	vmul.f32 v13, v8;
	v13 =	vadd.f32 $2.000000030e-01, v4;
	v18 =	vld [tilespmem:s1+$0x2080]  }
0x1d2: {  	v7 =	vsub.f32 v7, v16;
	v16 =	vmul.f32 v26, v23;
	v19 =	vmul.f32 $1.442695020e+00, v19  }
0x1d3: {  	v17 =	vadd.f32 v17, v17;
	v8 =	vadd.f32 $1.000000000e+00, v8;
	v13 =	vmul.f32 v13, v15  }
0x1d4: {  	v3 =	vadd.f32 v7, v3;
	v7 =	vmul.f32 v16, v16;
	(erf) = vpow2.f32 v19  }
0x1d5: {  	v22 =	vmul.f32 v28, v27;
	v8 =	vmul.f32 v8, v17;
	v13 =	vadd.f32 $3.333333430e-01, v13  }
0x1d6: {  	v6 =	vmin.f32 v6, $0.0e+00;
	s10 =	simm.s32 $0x30;
	v4 =	vsub.f32 $0.0e+00, v18;
	v18 =	vmul.f32 $1.111111120e-01, v7  }
0x1d7: {  	v6 =	vsub.f32 v6, v8;
	v8 =	vmul.f32 v13, v15;
	v13 =	vmul.f32 v22, v22;
	s1 =	sand.u32 $0x1F0, s10;
	v19 =	vpop (erf)  }
0x1d8: {  	v21 =	vand.u32 $0x7FFFFFFF, v4;
	v20 =	vadd.f32 $2.000000000e+00, v19;
	v17 =	vadd.f32 $1.428571490e-01, v18;
	v18 =	vld [tilespmem:s1+$0x2080]  }
0x1d9: {  	v3 =	vadd.f32 v6, v3;
	v6 =	vmul.f32 $1.111111120e-01, v13;
	v21 =	vsub.f32 $0.0e+00, v21  }
0x1da: {  	(erf) = vrcp.f32 v20;
	v17 =	vmul.f32 v17, v7  }
0x1db: {  	v14 =	vadd.f32 v14, v14;
	v6 =	vadd.f32 $1.428571490e-01, v6;
	v20 =	vmul.f32 $1.442695020e+00, v21  }
0x1dc: {  	v15 =	vadd.f32 $2.000000030e-01, v17;
	v17 =	vadd.f32 $1.000000000e+00, v8  }
0x1dd: {  	v6 =	vmul.f32 v6, v13;
	(erf) = vpow2.f32 v20;
	v8 =	vsub.f32 $0.0e+00, v18;
	v18 =	vpop (erf)  }
0x1de: {  	s2 =	simm.s32 $0x40;
	v14 =	vmul.f32 v17, v14;
	v17 =	vadd.f32 $2.000000000e+00, v18  }
0x1df: {  	s1 =	sand.u32 $0x1F0, s2;
	v6 =	vadd.f32 $2.000000030e-01, v6;
	v15 =	vmul.f32 v15, v7  }
0x1e0: {  	v10 =	vmin.f32 v10, $0.0e+00;
	v21 =	vld [tilespmem:s1+$0x2080];
	v20 =	vand.u32 $0x7FFFFFFF, v8;
	(erf) = vrcp.f32 v17  }
0x1e1: {  	v6 =	vmul.f32 v6, v13;
	v20 =	vsub.f32 $0.0e+00, v20;
	v15 =	vadd.f32 $3.333333430e-01, v15  }
0x1e2: {  	v10 =	vsub.f32 v10, v14  }
0x1e3: {  	v6 =	vadd.f32 $3.333333430e-01, v6;
	v17 =	vmul.f32 $1.442695020e+00, v20;
	v7 =	vmul.f32 v15, v7;
	v14 =	vpop (erf)  }
0x1e4: {  	v3 =	vadd.f32 v10, v3;
	v10 =	vadd.f32 v16, v16;
	v19 =	vmul.f32 v14, v19  }
0x1e5: {  	(erf) = vpow2.f32 v17;
	v14 =	vadd.f32 $1.000000000e+00, v7;
	v7 =	vsub.f32 $0.0e+00, v21  }
0x1e6: {  	s10 =	simm.s32 $0x50;
	v15 =	vpop (erf);
	v16 =	vmul.f32 v19, v19  }
0x1e7: {  	s1 =	sand.u32 $0x1F0, s10;
	v17 =	vadd.f32 $2.000000000e+00, v15;
	v10 =	vmul.f32 v14, v10;
	v20 =	vand.u32 $0x7FFFFFFF, v7  }
0x1e8: {  	v9 =	vmin.f32 v9, $0.0e+00;
	v21 =	vld [tilespmem:s1+$0x2080];
	v20 =	vsub.f32 $0.0e+00, v20;
	v14 =	vmul.f32 $1.111111120e-01, v16  }
0x1e9: {  	v13 =	vmul.f32 v6, v13;
	(erf) = vrcp.f32 v17;
	v9 =	vsub.f32 v9, v10;
	v6 =	vpop (erf)  }
0x1ea: {  	v10 =	vadd.f32 $1.428571490e-01, v14;
	v14 =	vmul.f32 $1.442695020e+00, v20;
	v6 =	vmul.f32 v6, v18  }
0x1eb: {  	v13 =	vadd.f32 $1.000000000e+00, v13  }
0x1ec: {  	v18 =	vadd.f32 v22, v22;
	(erf) = vpow2.f32 v14;
	v14 =	vmul.f32 v6, v6  }
0x1ed: {  	v3 =	vadd.f32 v9, v3;
	v9 =	vmul.f32 v10, v16;
	v10 =	vsub.f32 $0.0e+00, v21  }
0x1ee: {  	v11 =	vmin.f32 v11, $0.0e+00;
	v17 =	vpop (erf);
	v13 =	vmul.f32 v13, v18;
	v21 =	vmul.f32 $1.111111120e-01, v14  }
0x1ef: {  	s2 =	simm.s32 $0x60;
	v9 =	vadd.f32 $2.000000030e-01, v9;
	v18 =	vadd.f32 $2.000000000e+00, v17;
	v22 =	vand.u32 $0x7FFFFFFF, v10  }
0x1f0: {  	s1 =	sand.u32 $0x1F0, s2;
	v11 =	vsub.f32 v11, v13;
	v13 =	vsub.f32 $0.0e+00, v22  }
0x1f1: {  	v20 =	vld [tilespmem:s1+$0x2080];
	v9 =	vmul.f32 v9, v16;
	(erf) = vrcp.f32 v18;
	v18 =	vadd.f32 $1.428571490e-01, v21  }
0x1f2: {  	v3 =	vadd.f32 v11, v3;
	v11 =	vmul.f32 $1.442695020e+00, v13;
	v21 =	vpop (erf)  }
0x1f3: {  	v9 =	vadd.f32 $3.333333430e-01, v9;
	v13 =	vmul.f32 v21, v15;
	v21 =	vmul.f32 v18, v14;
	_ =	sdelay $0x1  }
0x1f4: {  	s10 =	simm.s32 $0x70;
	(erf) = vpow2.f32 v11;
	v22 =	vmul.f32 v9, v16;
	v11 =	vadd.f32 $2.000000030e-01, v21  }
0x1f5: {  	v19 =	vadd.f32 v19, v19;
	s1 =	sand.u32 $0x1F0, s10;
	v9 =	vsub.f32 $0.0e+00, v20;
	v18 =	vpop (erf);
	v16 =	vmul.f32 v13, v13  }
0x1f6: {  	v21 =	vadd.f32 $1.000000000e+00, v22;
	v23 =	vadd.f32 $2.000000000e+00, v18;
	v20 =	vmul.f32 v11, v14;
	v11 =	vld [tilespmem:s1+$0x2080]  }
0x1f7: {  	v12 =	vmin.f32 v12, $0.0e+00;
	v63 =	vmul.f32 $1.111111120e-01, v16  }
0x1f8: {  	v22 =	vand.u32 $0x7FFFFFFF, v9;
	v19 =	vmul.f32 v21, v19;
	(erf) = vrcp.f32 v23  }
0x1f9: {  	v15 =	vimm.f32 $0.0e+00;
	v22 =	vsub.f32 $0.0e+00, v22;
	s1 =	simm.s32 $0x80;
	v21 =	vadd.f32 $1.428571490e-01, v63  }
.LBB2_20:
0x1fa: {  	p0 =	sne.s32 s1, $0x1F0;
	v23 =	vpop (erf);
	v20 =	vadd.f32 $3.333333430e-01, v20;
	v12 =	vsub.f32 v12, v19  }
0x1fb: {  	v24 =	vsub.f32 $0.0e+00, v11;
	v11 =	vmul.f32 $1.442695020e+00, v22;
	v19 =	vmul.f32 v23, v17;
	v17 =	vmovc v18  }
0x1fc: {  	v21 =	vmul.f32 v21, v16;
	v20 =	vmul.f32 v20, v14;
	v15 =	vadd.f32 v12, v15;
	v14 =	vmovc v16  }
.Ltmp9:
0x1fd: {  	s2 =	sand.u32 $0x1F0, s1;
	v22 =	vadd.f32 v6, v6;
	v6 =	vmovc v13;
	(erf) = vpow2.f32 v11;
	v16 =	vmul.f32 v19, v19;
	v13 =	vmovc v19;
	(pc) =	sbr.rel @p0 .LBB2_20-.Ltmp9, $4  }
0x1fe: {  	v19 =	vadd.f32 $2.000000030e-01, v21;
	v11 =	vld [tilespmem:s2+$0x2080];
	v18 =	vpop (erf);
	v21 =	vadd.f32 $1.000000000e+00, v20  }
0x1ff: {  	v12 =	vmin.f32 v5, $0.0e+00;
	v5 =	vmovc v4;
	v4 =	vmovc v8;
	v23 =	vadd.f32 $2.000000000e+00, v18;
	v25 =	vmul.f32 $1.111111120e-01, v16  }
0x200: {  	v8 =	vmovc v7;
	v7 =	vmovc v10;
	v26 =	vand.u32 $0x7FFFFFFF, v24;
	v20 =	vmul.f32 v19, v14;
	v19 =	vmul.f32 v21, v22  }
0x201: {  	s1 =	sadd.s32 $0x10, s1;
	v10 =	vmovc v9;
	v9 =	vmovc v24;
	v22 =	vsub.f32 $0.0e+00, v26;
	(erf) = vrcp.f32 v23;
	v21 =	vadd.f32 $1.428571490e-01, v25  }
0x202: {  	_ = 	snop  }
0x203: {  	v11 =	vsub.f32 $0.0e+00, v11;
	_ =	sdelay $0x1  }
0x204: {  	v23 =	vpop (erf);
	v24 =	vand.u32 $0x7FFFFFFF, v11  }
0x205: {  	v22 =	vmul.f32 $1.442695020e+00, v22;
	v25 =	vpop (erf);
	v24 =	vsub.f32 $0.0e+00, v24  }
0x206: {  	v26 =	vadd.f32 $2.000000000e+00, v25  }
0x207: {  	(erf) = vpow2.f32 v22;
	v22 =	vmul.f32 $1.442695020e+00, v24  }
0x208: {  	(erf) = vrcp.f32 v26  }
0x209: {  	(erf) = vpow2.f32 v22;
	_ =	sdelay $0x5  }
0x20a: {  	v22 =	vpop (erf)  }
0x20b: {  	v61 =	vpop (erf)  }
0x20c: {  	v26 =	vpop (erf)  }
0x20d: {  	v27 =	vadd.f32 $2.000000000e+00, v61;
	v28 =	vpop (erf)  }
0x20e: {  	v29 =	vadd.f32 $2.000000000e+00, v28  }
0x20f: {  	(erf) = vrcp.f32 v27  }
0x210: {  	(erf) = vrcp.f32 v29;
	_ =	sdelay $0x7  }
0x211: {  	v27 =	vpop (erf)  }
0x212: {  	v29 =	vpop (erf)  }
0x213: {  	_ =	swait.ge [sflag:s28], $0x80  }
0x214: {  	[sflag:s28] =	ssyncset.done $0x0  }
0x215: {  	[sflag:s28] =	ssyncadd.s32 $0xFFFFFF80  }
0x216: {  	_ =	swait.ge [sflag:s28], $0x80  }
0x217: {  	[sflag:s28] =	ssyncset.done $0x0  }
0x218: {  	[sflag:s28] =	ssyncadd.s32 $0xFFFFFF80  }
0x219: {  	v17 =	vmul.f32 v23, v17;
	_ =	swait.ge [sflag:s28], $0x80  }
0x21a: {  	v20 =	vadd.f32 $3.333333430e-01, v20;
	[sflag:s28] =	ssyncset.done $0x0  }
0x21b: {  	v21 =	vmul.f32 v21, v16;
	v23 =	vmul.f32 v17, v17;
	[sflag:s28] =	ssyncadd.s32 $0xFFFFFF80  }
0x21c: {  	v14 =	vmul.f32 v20, v14;
	_ =	swait.ge [sflag:s28], $0x80  }
0x21d: {  	s1 =	simm.s32 $0x0;
	v20 =	vadd.f32 $2.000000030e-01, v21;
	v21 =	vmul.f32 $1.111111120e-01, v23;
	[sflag:s28] =	ssyncset.done $0x0  }
0x21e: {  	v6 =	vadd.f32 v6, v6;
	s1 =	sand.u32 $0x1F0, s1;
	v14 =	vadd.f32 $1.000000000e+00, v14;
	[sflag:s28] =	ssyncadd.s32 $0xFFFFFF80  }
0x21f: {  	v20 =	vmul.f32 v20, v16;
	v21 =	vadd.f32 $1.428571490e-01, v21;
	v30 =	vld [tilespmem:s1+$0x2280]  }
0x220: {  	v12 =	vsub.f32 v12, v19;
	v6 =	vmul.f32 v14, v6;
	v14 =	vmul.f32 v22, v18  }
0x221: {  	v5 =	vmin.f32 v5, $0.0e+00;
	v19 =	vmul.f32 v21, v23;
	v18 =	vadd.f32 $3.333333430e-01, v20  }
0x222: {  	v15 =	vadd.f32 v12, v15;
	v5 =	vsub.f32 v5, v6;
	v20 =	vmul.f32 v14, v14  }
0x223: {  	v6 =	vmul.f32 v18, v16;
	v16 =	vadd.f32 $2.000000030e-01, v19  }
0x224: {  	s10 =	simm.s32 $0x10;
	v5 =	vadd.f32 v5, v15;
	v15 =	vmul.f32 $1.111111120e-01, v20;
	v12 =	vsub.f32 $0.0e+00, v30  }
0x225: {  	v13 =	vadd.f32 v13, v13;
	v6 =	vadd.f32 $1.000000000e+00, v6;
	v16 =	vmul.f32 v16, v23;
	s1 =	sand.u32 $0x1F0, s10  }
0x226: {  	v15 =	vadd.f32 $1.428571490e-01, v15;
	v19 =	vld [tilespmem:s1+$0x2280];
	v18 =	vand.u32 $0x7FFFFFFF, v12  }
0x227: {  	v6 =	vmul.f32 v6, v13;
	v16 =	vadd.f32 $3.333333430e-01, v16;
	v18 =	vsub.f32 $0.0e+00, v18  }
0x228: {  	v4 =	vmin.f32 v4, $0.0e+00;
	v13 =	vmul.f32 v26, v25;
	v15 =	vmul.f32 v15, v20  }
0x229: {  	v4 =	vsub.f32 v4, v6;
	v6 =	vmul.f32 v16, v23;
	v18 =	vmul.f32 $1.442695020e+00, v18  }
0x22a: {  	v16 =	vmul.f32 v13, v13;
	v15 =	vadd.f32 $2.000000030e-01, v15  }
0x22b: {  	(erf) = vpow2.f32 v18;
	v18 =	vadd.f32 $1.000000000e+00, v6;
	v6 =	vsub.f32 $0.0e+00, v19  }
0x22c: {  	v17 =	vadd.f32 v17, v17;
	v4 =	vadd.f32 v4, v5;
	v5 =	vmul.f32 $1.111111120e-01, v16  }
0x22d: {  	v15 =	vmul.f32 v15, v20;
	v19 =	vand.u32 $0x7FFFFFFF, v6  }
0x22e: {  	s2 =	simm.s32 $0x20;
	v5 =	vadd.f32 $1.428571490e-01, v5;
	v17 =	vmul.f32 v18, v17;
	v19 =	vsub.f32 $0.0e+00, v19  }
0x22f: {  	v8 =	vmin.f32 v8, $0.0e+00;
	v15 =	vadd.f32 $3.333333430e-01, v15;
	s1 =	sand.u32 $0x1F0, s2  }
0x230: {  	v5 =	vmul.f32 v5, v16;
	v18 =	vld [tilespmem:s1+$0x2280];
	v8 =	vsub.f32 v8, v17;
	v19 =	vmul.f32 $1.442695020e+00, v19  }
0x231: {  	v17 =	vmul.f32 v27, v61  }
0x232: {  	v15 =	vmul.f32 v15, v20;
	v4 =	vadd.f32 v8, v4;
	v8 =	vadd.f32 $2.000000030e-01, v5  }
0x233: {  	v14 =	vadd.f32 v14, v14;
	v20 =	vmul.f32 v17, v17  }
0x234: {  	v15 =	vadd.f32 $1.000000000e+00, v15;
	(erf) = vpow2.f32 v19;
	v8 =	vmul.f32 v8, v16;
	v19 =	vpop (erf)  }
0x235: {  	s10 =	simm.s32 $0x30;
	v5 =	vsub.f32 $0.0e+00, v18;
	v18 =	vmul.f32 $1.111111120e-01, v20;
	v21 =	vadd.f32 $2.000000000e+00, v19  }
0x236: {  	v23 =	vmul.f32 v29, v28;
	s1 =	sand.u32 $0x1F0, s10;
	v8 =	vadd.f32 $3.333333430e-01, v8  }
0x237: {  	v14 =	vmul.f32 v15, v14;
	v15 =	vadd.f32 $1.428571490e-01, v18;
	v18 =	vld [tilespmem:s1+$0x2280];
	(erf) = vrcp.f32 v21  }
0x238: {  	v7 =	vmin.f32 v7, $0.0e+00;
	v22 =	vand.u32 $0x7FFFFFFF, v5;
	v8 =	vmul.f32 v8, v16  }
0x239: {  	v7 =	vsub.f32 v7, v14;
	v14 =	vmul.f32 v23, v23;
	v22 =	vsub.f32 $0.0e+00, v22  }
0x23a: {  	v13 =	vadd.f32 v13, v13;
	v15 =	vmul.f32 v15, v20;
	v16 =	vadd.f32 $1.000000000e+00, v8  }
0x23b: {  	v4 =	vadd.f32 v7, v4;
	v7 =	vmul.f32 $1.111111120e-01, v14;
	v21 =	vmul.f32 $1.442695020e+00, v22  }
0x23c: {  	v15 =	vadd.f32 $2.000000030e-01, v15;
	v8 =	vsub.f32 $0.0e+00, v18;
	v13 =	vmul.f32 v16, v13  }
0x23d: {  	v7 =	vadd.f32 $1.428571490e-01, v7;
	(erf) = vpow2.f32 v21;
	v18 =	vpop (erf)  }
0x23e: {  	s2 =	simm.s32 $0x40;
	v15 =	vmul.f32 v15, v20;
	v16 =	vadd.f32 $2.000000000e+00, v18;
	v21 =	vand.u32 $0x7FFFFFFF, v8  }
0x23f: {  	v10 =	vmin.f32 v10, $0.0e+00;
	s1 =	sand.u32 $0x1F0, s2;
	v7 =	vmul.f32 v7, v14;
	v21 =	vsub.f32 $0.0e+00, v21  }
0x240: {  	v22 =	vld [tilespmem:s1+$0x2280];
	v15 =	vadd.f32 $3.333333430e-01, v15;
	v10 =	vsub.f32 v10, v13;
	(erf) = vrcp.f32 v16;
	v13 =	vpop (erf)  }
0x241: {  	v19 =	vmul.f32 v13, v19;
	v13 =	vadd.f32 $2.000000030e-01, v7  }
0x242: {  	v16 =	vmul.f32 $1.442695020e+00, v21;
	v15 =	vmul.f32 v15, v20  }
0x243: {  	v4 =	vadd.f32 v10, v4;
	v13 =	vmul.f32 v13, v14  }
0x244: {  	v10 =	vadd.f32 v17, v17;
	(erf) = vpow2.f32 v16;
	v15 =	vadd.f32 $1.000000000e+00, v15  }
0x245: {  	v7 =	vsub.f32 $0.0e+00, v22;
	v17 =	vmul.f32 v19, v19;
	v13 =	vadd.f32 $3.333333430e-01, v13  }
0x246: {  	v9 =	vmin.f32 v9, $0.0e+00;
	s10 =	simm.s32 $0x50;
	v16 =	vpop (erf);
	v10 =	vmul.f32 v15, v10  }
0x247: {  	s1 =	sand.u32 $0x1F0, s10;
	v21 =	vand.u32 $0x7FFFFFFF, v7;
	v20 =	vadd.f32 $2.000000000e+00, v16;
	v15 =	vmul.f32 $1.111111120e-01, v17  }
0x248: {  	v22 =	vld [tilespmem:s1+$0x2280];
	v21 =	vsub.f32 $0.0e+00, v21;
	v9 =	vsub.f32 v9, v10  }
0x249: {  	(erf) = vrcp.f32 v20;
	v10 =	vadd.f32 $1.428571490e-01, v15;
	v14 =	vmul.f32 v13, v14;
	v13 =	vpop (erf)  }
0x24a: {  	v20 =	vadd.f32 v23, v23;
	v15 =	vmul.f32 $1.442695020e+00, v21;
	v13 =	vmul.f32 v13, v18  }
0x24b: {  	v4 =	vadd.f32 v9, v4;
	v9 =	vmul.f32 v10, v17;
	v14 =	vadd.f32 $1.000000000e+00, v14  }
0x24c: {  	(erf) = vpow2.f32 v15;
	v15 =	vmul.f32 v13, v13  }
0x24d: {  	v10 =	vsub.f32 $0.0e+00, v22;
	v18 =	vpop (erf);
	v9 =	vadd.f32 $2.000000030e-01, v9;
	v14 =	vmul.f32 v14, v20  }
0x24e: {  	v11 =	vmin.f32 v11, $0.0e+00;
	s2 =	simm.s32 $0x60;
	v20 =	vadd.f32 $2.000000000e+00, v18;
	v22 =	vmul.f32 $1.111111120e-01, v15  }
0x24f: {  	s1 =	sand.u32 $0x1F0, s2;
	v23 =	vand.u32 $0x7FFFFFFF, v10;
	v9 =	vmul.f32 v9, v17;
	v11 =	vsub.f32 v11, v14  }
0x250: {  	v21 =	vld [tilespmem:s1+$0x2280];
	v14 =	vsub.f32 $0.0e+00, v23;
	(erf) = vrcp.f32 v20;
	v20 =	vadd.f32 $1.428571490e-01, v22  }
0x251: {  	v9 =	vadd.f32 $3.333333430e-01, v9  }
0x252: {  	v4 =	vadd.f32 v11, v4;
	v11 =	vmul.f32 $1.442695020e+00, v14;
	v22 =	vpop (erf);
	v20 =	vmul.f32 v20, v15  }
0x253: {  	v14 =	vmul.f32 v22, v16  }
0x254: {  	s10 =	simm.s32 $0x70;
	(erf) = vpow2.f32 v11;
	v22 =	vmul.f32 v9, v17;
	v11 =	vadd.f32 $2.000000030e-01, v20  }
0x255: {  	s1 =	sand.u32 $0x1F0, s10;
	v23 =	vadd.f32 v19, v19;
	v9 =	vsub.f32 $0.0e+00, v21;
	v19 =	vpop (erf);
	v17 =	vmul.f32 v14, v14  }
0x256: {  	v20 =	vadd.f32 $1.000000000e+00, v22;
	v22 =	vadd.f32 $2.000000000e+00, v19;
	v21 =	vmul.f32 v11, v15;
	v11 =	vld [tilespmem:s1+$0x2280]  }
0x257: {  	v12 =	vmin.f32 v12, $0.0e+00;
	v62 =	vmul.f32 $1.111111120e-01, v17  }
0x258: {  	v63 =	vand.u32 $0x7FFFFFFF, v9;
	v20 =	vmul.f32 v20, v23;
	(erf) = vrcp.f32 v22  }
0x259: {  	v16 =	vimm.f32 $0.0e+00;
	s1 =	simm.s32 $0x80;
	v23 =	vsub.f32 $0.0e+00, v63;
	v22 =	vadd.f32 $1.428571490e-01, v62  }
.LBB2_22:
0x25a: {  	p0 =	sne.s32 s1, $0x1F0;
	v24 =	vpop (erf);
	v21 =	vadd.f32 $3.333333430e-01, v21;
	v12 =	vsub.f32 v12, v20  }
0x25b: {  	v25 =	vsub.f32 $0.0e+00, v11;
	v11 =	vmul.f32 $1.442695020e+00, v23;
	v20 =	vmul.f32 v24, v18;
	v18 =	vmovc v19  }
0x25c: {  	v22 =	vmul.f32 v22, v17;
	v21 =	vmul.f32 v21, v15;
	v16 =	vadd.f32 v12, v16;
	v15 =	vmovc v17  }
.Ltmp10:
0x25d: {  	s2 =	sand.u32 $0x1F0, s1;
	v23 =	vadd.f32 v13, v13;
	v13 =	vmovc v14;
	(erf) = vpow2.f32 v11;
	v17 =	vmul.f32 v20, v20;
	v14 =	vmovc v20;
	(pc) =	sbr.rel @p0 .LBB2_22-.Ltmp10, $4  }
0x25e: {  	v20 =	vadd.f32 $2.000000030e-01, v22;
	v11 =	vld [tilespmem:s2+$0x2280];
	v19 =	vpop (erf);
	v22 =	vadd.f32 $1.000000000e+00, v21  }
0x25f: {  	v12 =	vmin.f32 v6, $0.0e+00;
	v6 =	vmovc v5;
	v5 =	vmovc v8;
	v24 =	vadd.f32 $2.000000000e+00, v19;
	v26 =	vmul.f32 $1.111111120e-01, v17  }
0x260: {  	v8 =	vmovc v7;
	v7 =	vmovc v10;
	v27 =	vand.u32 $0x7FFFFFFF, v25;
	v21 =	vmul.f32 v20, v15;
	v20 =	vmul.f32 v22, v23  }
0x261: {  	s1 =	sadd.s32 $0x10, s1;
	v10 =	vmovc v9;
	v9 =	vmovc v25;
	v23 =	vsub.f32 $0.0e+00, v27;
	(erf) = vrcp.f32 v24;
	v22 =	vadd.f32 $1.428571490e-01, v26  }
0x262: {  	_ = 	snop  }
0x263: {  	v11 =	vsub.f32 $0.0e+00, v11;
	_ =	sdelay $0x1  }
0x264: {  	v24 =	vpop (erf);
	v25 =	vand.u32 $0x7FFFFFFF, v11  }
0x265: {  	v23 =	vmul.f32 $1.442695020e+00, v23;
	v26 =	vpop (erf);
	v25 =	vsub.f32 $0.0e+00, v25  }
0x266: {  	v27 =	vadd.f32 $2.000000000e+00, v26  }
0x267: {  	(erf) = vpow2.f32 v23;
	v23 =	vmul.f32 $1.442695020e+00, v25  }
0x268: {  	(erf) = vrcp.f32 v27  }
0x269: {  	(erf) = vpow2.f32 v23;
	_ =	sdelay $0x5  }
0x26a: {  	v23 =	vpop (erf)  }
0x26b: {  	v25 =	vpop (erf)  }
0x26c: {  	v27 =	vpop (erf)  }
0x26d: {  	v28 =	vadd.f32 $2.000000000e+00, v25;
	v29 =	vpop (erf)  }
0x26e: {  	v30 =	vadd.f32 $2.000000000e+00, v29  }
0x26f: {  	(erf) = vrcp.f32 v28  }
0x270: {  	(erf) = vrcp.f32 v30;
	_ =	sdelay $0x7  }
0x271: {  	v28 =	vpop (erf)  }
0x272: {  	v30 =	vpop (erf)  }
0x273: {  	_ =	swait.ge [sflag:s29], $0x80  }
0x274: {  	[sflag:s29] =	ssyncset.done $0x0  }
0x275: {  	[sflag:s29] =	ssyncadd.s32 $0xFFFFFF80  }
0x276: {  	v18 =	vmul.f32 v24, v18;
	_ =	swait.ge [sflag:s29], $0x80  }
0x277: {  	v21 =	vadd.f32 $3.333333430e-01, v21;
	v22 =	vmul.f32 v22, v17;
	[sflag:s29] =	ssyncset.done $0x0  }
0x278: {  	v24 =	vmul.f32 v18, v18;
	[sflag:s29] =	ssyncadd.s32 $0xFFFFFF80  }
0x279: {  	v15 =	vmul.f32 v21, v15;
	v21 =	vadd.f32 $2.000000030e-01, v22;
	_ =	swait.ge [sflag:s29], $0x80  }
0x27a: {  	v22 =	vmul.f32 $1.111111120e-01, v24;
	[sflag:s29] =	ssyncset.done $0x0  }
0x27b: {  	v13 =	vadd.f32 v13, v13;
	v15 =	vadd.f32 $1.000000000e+00, v15;
	v21 =	vmul.f32 v21, v17;
	[sflag:s29] =	ssyncadd.s32 $0xFFFFFF80  }
0x27c: {  	v12 =	vsub.f32 v12, v20;
	v22 =	vadd.f32 $1.428571490e-01, v22;
	_ =	swait.ge [sflag:s29], $0x80  }
0x27d: {  	s1 =	simm.s32 $0x0;
	v13 =	vmul.f32 v15, v13;
	v15 =	vmul.f32 v23, v19;
	v19 =	vadd.f32 $3.333333430e-01, v21;
	[sflag:s29] =	ssyncset.done $0x0  }
0x27e: {  	v6 =	vmin.f32 v6, $0.0e+00;
	s1 =	sand.u32 $0x1F0, s1;
	v16 =	vadd.f32 v12, v16;
	v20 =	vmul.f32 v22, v24;
	[sflag:s29] =	ssyncadd.s32 $0xFFFFFF80  }
0x27f: {  	v6 =	vsub.f32 v6, v13;
	v13 =	vmul.f32 v15, v15;
	v17 =	vmul.f32 v19, v17;
	v31 =	vld [tilespmem:s1+$0x2480]  }
0x280: {  	v14 =	vadd.f32 v14, v14;
	v19 =	vadd.f32 $2.000000030e-01, v20  }
0x281: {  	v6 =	vadd.f32 v6, v16;
	v16 =	vmul.f32 $1.111111120e-01, v13;
	v17 =	vadd.f32 $1.000000000e+00, v17  }
0x282: {  	v19 =	vmul.f32 v19, v24  }
0x283: {  	v5 =	vmin.f32 v5, $0.0e+00;
	v16 =	vadd.f32 $1.428571490e-01, v16;
	v14 =	vmul.f32 v17, v14  }
0x284: {  	s10 =	simm.s32 $0x10;
	v17 =	vmul.f32 v27, v26;
	v19 =	vadd.f32 $3.333333430e-01, v19;
	v12 =	vsub.f32 $0.0e+00, v31  }
0x285: {  	v16 =	vmul.f32 v16, v13;
	v14 =	vsub.f32 v5, v14;
	s1 =	sand.u32 $0x1F0, s10  }
0x286: {  	v5 =	vmul.f32 v19, v24;
	v19 =	vmul.f32 v17, v17;
	v21 =	vld [tilespmem:s1+$0x2480];
	v20 =	vand.u32 $0x7FFFFFFF, v12  }
0x287: {  	v20 =	vsub.f32 $0.0e+00, v20  }
0x288: {  	v16 =	vadd.f32 $2.000000030e-01, v16;
	v6 =	vadd.f32 v14, v6;
	v14 =	vmul.f32 $1.111111120e-01, v19  }
0x289: {  	v20 =	vmul.f32 $1.442695020e+00, v20  }
0x28a: {  	v16 =	vmul.f32 v16, v13;
	v14 =	vadd.f32 $1.428571490e-01, v14  }
0x28b: {  	(erf) = vpow2.f32 v20;
	v20 =	vadd.f32 $1.000000000e+00, v5;
	v5 =	vsub.f32 $0.0e+00, v21  }
0x28c: {  	v18 =	vadd.f32 v18, v18  }
0x28d: {  	s2 =	simm.s32 $0x20;
	v16 =	vadd.f32 $3.333333430e-01, v16;
	v14 =	vmul.f32 v14, v19;
	v21 =	vand.u32 $0x7FFFFFFF, v5  }
0x28e: {  	s1 =	sand.u32 $0x1F0, s2;
	v18 =	vmul.f32 v20, v18;
	v21 =	vsub.f32 $0.0e+00, v21  }
0x28f: {  	v8 =	vmin.f32 v8, $0.0e+00;
	v13 =	vmul.f32 v16, v13;
	v14 =	vadd.f32 $2.000000030e-01, v14;
	v20 =	vld [tilespmem:s1+$0x2480]  }
0x290: {  	v8 =	vsub.f32 v8, v18;
	v18 =	vmul.f32 v28, v25;
	v21 =	vmul.f32 $1.442695020e+00, v21  }
0x291: {  	v15 =	vadd.f32 v15, v15;
	v13 =	vadd.f32 $1.000000000e+00, v13;
	v14 =	vmul.f32 v14, v19  }
0x292: {  	v7 =	vmin.f32 v7, $0.0e+00;
	v16 =	vmul.f32 v18, v18;
	(erf) = vpow2.f32 v21  }
0x293: {  	v24 =	vmul.f32 v30, v29;
	v13 =	vmul.f32 v13, v15;
	v14 =	vadd.f32 $3.333333430e-01, v14  }
0x294: {  	s10 =	simm.s32 $0x30;
	v8 =	vadd.f32 v8, v6;
	v6 =	vsub.f32 $0.0e+00, v20;
	v20 =	vmul.f32 $1.111111120e-01, v16;
	v21 =	vpop (erf)  }
0x295: {  	v13 =	vsub.f32 v7, v13;
	v7 =	vmul.f32 v14, v19;
	s1 =	sand.u32 $0x1F0, s10;
	v22 =	vadd.f32 $2.000000000e+00, v21  }
0x296: {  	v14 =	vmul.f32 v24, v24;
	v23 =	vand.u32 $0x7FFFFFFF, v6;
	v15 =	vadd.f32 $1.428571490e-01, v20;
	v20 =	vld [tilespmem:s1+$0x2480]  }
0x297: {  	v23 =	vsub.f32 $0.0e+00, v23;
	(erf) = vrcp.f32 v22  }
0x298: {  	v8 =	vadd.f32 v13, v8;
	v13 =	vmul.f32 $1.111111120e-01, v14  }
0x299: {  	v17 =	vadd.f32 v17, v17;
	v15 =	vmul.f32 v15, v16;
	v22 =	vmul.f32 $1.442695020e+00, v23  }
0x29a: {  	v19 =	vadd.f32 $1.000000000e+00, v7;
	v13 =	vadd.f32 $1.428571490e-01, v13  }
0x29b: {  	s2 =	simm.s32 $0x40;
	v15 =	vadd.f32 $2.000000030e-01, v15;
	(erf) = vpow2.f32 v22;
	v7 =	vsub.f32 $0.0e+00, v20;
	v20 =	vpop (erf)  }
0x29c: {  	v17 =	vmul.f32 v19, v17;
	s1 =	sand.u32 $0x1F0, s2;
	v13 =	vmul.f32 v13, v14;
	v19 =	vadd.f32 $2.000000000e+00, v20  }
0x29d: {  	v10 =	vmin.f32 v10, $0.0e+00;
	v23 =	vld [tilespmem:s1+$0x2480];
	v15 =	vmul.f32 v15, v16;
	v22 =	vand.u32 $0x7FFFFFFF, v7  }
0x29e: {  	v13 =	vadd.f32 $2.000000030e-01, v13;
	v22 =	vsub.f32 $0.0e+00, v22;
	(erf) = vrcp.f32 v19  }
0x29f: {  	v10 =	vsub.f32 v10, v17;
	v15 =	vadd.f32 $3.333333430e-01, v15  }
0x2a0: {  	v13 =	vmul.f32 v13, v14;
	v19 =	vmul.f32 $1.442695020e+00, v22;
	v17 =	vpop (erf)  }
0x2a1: {  	v10 =	vadd.f32 v10, v8;
	v15 =	vmul.f32 v15, v16;
	v21 =	vmul.f32 v17, v21  }
0x2a2: {  	v8 =	vsub.f32 $0.0e+00, v23;
	v13 =	vadd.f32 $3.333333430e-01, v13;
	(erf) = vpow2.f32 v19  }
0x2a3: {  	s10 =	simm.s32 $0x50;
	v16 =	vadd.f32 v18, v18;
	v15 =	vadd.f32 $1.000000000e+00, v15;
	v18 =	vmul.f32 v21, v21  }
0x2a4: {  	s1 =	sand.u32 $0x1F0, s10;
	v22 =	vand.u32 $0x7FFFFFFF, v8;
	v19 =	vpop (erf)  }
0x2a5: {  	v23 =	vld [tilespmem:s1+$0x2480];
	v15 =	vmul.f32 v15, v16;
	v17 =	vadd.f32 $2.000000000e+00, v19;
	v16 =	vmul.f32 $1.111111120e-01, v18  }
0x2a6: {  	v9 =	vmin.f32 v9, $0.0e+00;
	v14 =	vmul.f32 v13, v14;
	v22 =	vsub.f32 $0.0e+00, v22  }
0x2a7: {  	v9 =	vsub.f32 v9, v15;
	(erf) = vrcp.f32 v17;
	v15 =	vadd.f32 $1.428571490e-01, v16;
	v13 =	vpop (erf)  }
0x2a8: {  	v14 =	vadd.f32 $1.000000000e+00, v14;
	v13 =	vmul.f32 v13, v20  }
0x2a9: {  	v16 =	vmul.f32 $1.442695020e+00, v22;
	v22 =	vadd.f32 v24, v24;
	v20 =	vmul.f32 v15, v18  }
0x2aa: {  	v9 =	vadd.f32 v9, v10;
	v10 =	vsub.f32 $0.0e+00, v23;
	v15 =	vmul.f32 v13, v13  }
0x2ab: {  	s2 =	simm.s32 $0x60;
	(erf) = vpow2.f32 v16;
	v14 =	vmul.f32 v14, v22;
	v17 =	vpop (erf);
	v16 =	vadd.f32 $2.000000030e-01, v20  }
0x2ac: {  	v11 =	vmin.f32 v11, $0.0e+00;
	s1 =	sand.u32 $0x1F0, s2;
	v20 =	vadd.f32 $2.000000000e+00, v17;
	v23 =	vmul.f32 $1.111111120e-01, v15  }
0x2ad: {  	v22 =	vld [tilespmem:s1+$0x2480];
	v24 =	vand.u32 $0x7FFFFFFF, v10;
	v11 =	vsub.f32 v11, v14;
	v16 =	vmul.f32 v16, v18  }
0x2ae: {  	v14 =	vsub.f32 $0.0e+00, v24;
	(erf) = vrcp.f32 v20;
	v20 =	vadd.f32 $1.428571490e-01, v23  }
0x2af: {  	v24 =	vadd.f32 $3.333333430e-01, v16  }
0x2b0: {  	v25 =	vmul.f32 $1.442695020e+00, v14;
	v23 =	vpop (erf);
	v20 =	vmul.f32 v20, v15  }
0x2b1: {  	v9 =	vadd.f32 v11, v9;
	v14 =	vmul.f32 v23, v19;
	v23 =	vmul.f32 v24, v18  }
0x2b2: {  	v11 =	vsub.f32 $0.0e+00, v22;
	v22 =	vadd.f32 v21, v21  }
0x2b3: {  	s10 =	simm.s32 $0x70;
	v20 =	vadd.f32 $2.000000030e-01, v20;
	v23 =	vadd.f32 $1.000000000e+00, v23  }
0x2b4: {  	s1 =	sand.u32 $0x1F0, s10;
	(erf) = vpow2.f32 v25;
	v19 =	vpop (erf);
	v18 =	vmul.f32 v14, v14  }
0x2b5: {  	v25 =	vadd.f32 $2.000000000e+00, v19;
	v21 =	vmul.f32 v20, v15;
	v20 =	vmul.f32 v23, v22;
	v22 =	vld [tilespmem:s1+$0x2480]  }
0x2b6: {  	v26 =	vmul.f32 $1.111111120e-01, v18  }
0x2b7: {  	v12 =	vmin.f32 v12, $0.0e+00;
	v24 =	vand.u32 $0x7FFFFFFF, v11;
	(erf) = vrcp.f32 v25  }
0x2b8: {  	v16 =	vimm.f32 $0.0e+00;
	v24 =	vsub.f32 $0.0e+00, v24;
	s1 =	simm.s32 $0x80;
	v23 =	vadd.f32 $1.428571490e-01, v26  }
.LBB2_24:
0x2b9: {  	p0 =	sne.s32 s1, $0x1F0;
	v25 =	vpop (erf);
	v21 =	vadd.f32 $3.333333430e-01, v21;
	v12 =	vsub.f32 v12, v20  }
0x2ba: {  	v26 =	vsub.f32 $0.0e+00, v22;
	v20 =	vmul.f32 $1.442695020e+00, v24;
	v22 =	vmul.f32 v25, v17;
	v17 =	vmovc v19  }
0x2bb: {  	v23 =	vmul.f32 v23, v18;
	v21 =	vmul.f32 v21, v15;
	v16 =	vadd.f32 v12, v16;
	v15 =	vmovc v18  }
.Ltmp11:
0x2bc: {  	s2 =	sand.u32 $0x1F0, s1;
	(erf) = vpow2.f32 v20;
	v18 =	vmul.f32 v22, v22;
	v20 =	vadd.f32 v13, v13;
	v13 =	vmovc v14;
	v14 =	vmovc v22;
	(pc) =	sbr.rel @p0 .LBB2_24-.Ltmp11, $4  }
0x2bd: {  	v23 =	vadd.f32 $2.000000030e-01, v23;
	v22 =	vld [tilespmem:s2+$0x2480];
	v19 =	vpop (erf);
	v24 =	vadd.f32 $1.000000000e+00, v21  }
0x2be: {  	v12 =	vmin.f32 v5, $0.0e+00;
	v5 =	vmovc v6;
	v6 =	vmovc v7;
	v25 =	vadd.f32 $2.000000000e+00, v19;
	v27 =	vmul.f32 $1.111111120e-01, v18  }
0x2bf: {  	v7 =	vmovc v8;
	v8 =	vmovc v10;
	v28 =	vand.u32 $0x7FFFFFFF, v26;
	v21 =	vmul.f32 v23, v15;
	v20 =	vmul.f32 v24, v20  }
0x2c0: {  	s1 =	sadd.s32 $0x10, s1;
	v10 =	vmovc v11;
	v11 =	vmovc v26;
	v24 =	vsub.f32 $0.0e+00, v28;
	(erf) = vrcp.f32 v25;
	v23 =	vadd.f32 $1.428571490e-01, v27  }
0x2c1: {  	_ = 	snop  }
0x2c2: {  	v22 =	vsub.f32 $0.0e+00, v22;
	_ =	sdelay $0x1  }
0x2c3: {  	v25 =	vpop (erf);
	v26 =	vand.u32 $0x7FFFFFFF, v22  }
0x2c4: {  	v24 =	vmul.f32 $1.442695020e+00, v24;
	v27 =	vpop (erf);
	v26 =	vsub.f32 $0.0e+00, v26  }
0x2c5: {  	v53 =	vadd.f32 $2.000000000e+00, v27  }
0x2c6: {  	(erf) = vpow2.f32 v24;
	v26 =	vmul.f32 $1.442695020e+00, v26  }
0x2c7: {  	(erf) = vrcp.f32 v53  }
0x2c8: {  	(erf) = vpow2.f32 v26;
	_ =	sdelay $0x5  }
0x2c9: {  	v17 =	vmul.f32 v25, v17;
	v54 =	vpop (erf)  }
0x2ca: {  	v23 =	vmul.f32 v23, v18;
	v55 =	vpop (erf)  }
0x2cb: {  	v25 =	vmul.f32 v17, v17;
	v57 =	vadd.f32 $2.000000000e+00, v55;
	v28 =	vpop (erf)  }
0x2cc: {  	v21 =	vadd.f32 $3.333333430e-01, v21;
	v56 =	vadd.f32 $2.000000030e-01, v23;
	v59 =	vpop (erf)  }
0x2cd: {  	v58 =	vmul.f32 $1.111111120e-01, v25;
	(erf) = vrcp.f32 v57;
	v29 =	vadd.f32 $2.000000000e+00, v59  }
0x2ce: {  	v12 =	vsub.f32 v12, v20;
	v15 =	vmul.f32 v21, v15  }
0x2cf: {  	v21 =	vmul.f32 v56, v18;
	v20 =	vadd.f32 $1.428571490e-01, v58;
	(erf) = vrcp.f32 v29  }
0x2d0: {  	v13 =	vadd.f32 v13, v13;
	v5 =	vmin.f32 v5, $0.0e+00;
	v60 =	vmul.f32 v54, v19  }
0x2d1: {  	v15 =	vadd.f32 $1.000000000e+00, v15;
	v61 =	vadd.f32 $3.333333430e-01, v21;
	v20 =	vmul.f32 v20, v25  }
0x2d2: {  	v31 =	vadd.f32 v14, v14;
	v63 =	vmul.f32 v60, v60;
	v30 =	vmul.f32 v28, v27  }
0x2d3: {  	v13 =	vmul.f32 v15, v13;
	v62 =	vmul.f32 v61, v18;
	v29 =	vadd.f32 $2.000000030e-01, v20  }
0x2d4: {  	v6 =	vmin.f32 v6, $0.0e+00;
	v32 =	vmul.f32 $1.111111120e-01, v63;
	v33 =	vmul.f32 v30, v30  }
0x2d5: {  	v12 =	vadd.f32 v12, v16;
	v5 =	vsub.f32 v5, v13;
	v19 =	vmul.f32 v29, v25  }
0x2d6: {  	v16 =	vadd.f32 $1.000000000e+00, v62;
	v34 =	vadd.f32 $1.428571490e-01, v32;
	v36 =	vmul.f32 $1.111111120e-01, v33;
	v37 =	vpop (erf)  }
0x2d7: {  	v5 =	vadd.f32 v5, v12;
	v35 =	vadd.f32 $3.333333430e-01, v19;
	v19 =	vmul.f32 v37, v55  }
0x2d8: {  	v13 =	vmul.f32 v16, v31;
	v12 =	vmul.f32 v34, v63;
	v39 =	vadd.f32 $1.428571490e-01, v36;
	v42 =	vpop (erf)  }
0x2d9: {  	v7 =	vmin.f32 v7, $0.0e+00;
	v41 =	vmul.f32 v19, v19;
	v23 =	vmul.f32 v42, v59  }
0x2da: {  	v12 =	vadd.f32 $2.000000030e-01, v12;
	v14 =	vmul.f32 v39, v33;
	v38 =	vmul.f32 v35, v25  }
0x2db: {  	v40 =	vadd.f32 v17, v17;
	v44 =	vmul.f32 $1.111111120e-01, v41;
	v45 =	vmul.f32 v23, v23  }
0x2dc: {  	v6 =	vsub.f32 v6, v13;
	v43 =	vmul.f32 v12, v63;
	v13 =	vadd.f32 $1.000000000e+00, v38  }
0x2dd: {  	v14 =	vadd.f32 $2.000000030e-01, v14;
	v12 =	vadd.f32 $1.428571490e-01, v44;
	v47 =	vmul.f32 $1.111111120e-01, v45  }
0x2de: {  	v5 =	vadd.f32 v6, v5;
	v6 =	vadd.f32 $3.333333430e-01, v43;
	v13 =	vmul.f32 v13, v40  }
0x2df: {  	v46 =	vmul.f32 v14, v33;
	v12 =	vmul.f32 v12, v41;
	v14 =	vadd.f32 $1.428571490e-01, v47  }
0x2e0: {  	v6 =	vmul.f32 v6, v63;
	v7 =	vsub.f32 v7, v13  }
0x2e1: {  	v13 =	vadd.f32 $3.333333430e-01, v46;
	v12 =	vadd.f32 $2.000000030e-01, v12;
	v49 =	vmul.f32 v14, v45  }
0x2e2: {  	v8 =	vmin.f32 v8, $0.0e+00;
	v15 =	vadd.f32 v60, v60;
	v6 =	vadd.f32 $1.000000000e+00, v6  }
0x2e3: {  	v48 =	vmul.f32 v13, v33;
	v12 =	vmul.f32 v12, v41;
	v13 =	vadd.f32 $2.000000030e-01, v49  }
0x2e4: {  	v50 =	vadd.f32 v30, v30;
	v6 =	vmul.f32 v6, v15;
	v5 =	vadd.f32 v7, v5  }
0x2e5: {  	v7 =	vadd.f32 $1.000000000e+00, v48;
	v51 =	vadd.f32 $3.333333430e-01, v12;
	v52 =	vmul.f32 v13, v45  }
0x2e6: {  	vm0 =	vgt.s32 v0, $0x0;
	v6 =	vsub.f32 v8, v6  }
0x2e7: {  	v7 =	vmul.f32 v7, v50;
	v8 =	vmul.f32 v51, v41;
	v54 =	vadd.f32 $3.333333430e-01, v52  }
0x2e8: {  	v53 =	vmin.f32 v10, $0.0e+00;
	v55 =	vadd.f32 v19, v19;
	v5 =	vadd.f32 v6, v5  }
0x2e9: {  	v6 =	vsub.f32 v53, v7;
	v8 =	vadd.f32 $1.000000000e+00, v8;
	v7 =	vmul.f32 v54, v45  }
0x2ea: {  	vm12 =	vgt.s32 v0, $0x1;
	v2 =	vnsel vm0, $0x0, v2  }
0x2eb: {  	v57 =	vadd.f32 v23, v23;
	v56 =	vmul.f32 v8, v55;
	v7 =	vadd.f32 $1.000000000e+00, v7  }
0x2ec: {  	v3 =	vnsel vm12, $0x0, v3;
	v1 =	vadd.f32 v2, v1;
	v58 =	vmin.f32 v11, $0.0e+00  }
0x2ed: {  	v5 =	vadd.f32 v6, v5;
	v59 =	vsub.f32 v58, v56;
	v60 =	vmul.f32 v7, v57  }
0x2ee: {  	vm13 =	vgt.s32 v0, $0x2;
	v1 =	vadd.f32 v3, v1;
	v61 =	vmin.f32 v22, $0.0e+00  }
0x2ef: {  	v4 =	vnsel vm13, $0x0, v4;
	v2 =	vadd.f32 v59, v5;
	v62 =	vsub.f32 v61, v60  }
0x2f0: {  	vm14 =	vgt.s32 v0, $0x3;
	v1 =	vadd.f32 v4, v1  }
0x2f1: {  	v63 =	vnsel vm14, $0x0, v9;
	v2 =	vadd.f32 v62, v2  }
0x2f2: {  	vm15 =	vgt.s32 v0, $0x4;
	v1 =	vadd.f32 v63, v1  }
0x2f3: {  	v0 =	vnsel vm15, $0x0, v2  }
0x2f4: {  	v0 =	vadd.f32 v0, v1;
	_ =	sdelay $0x1  }
0x2f5: {  	s0 =	sadd.s32 $0x1, s0;
	v0 =	vmul.f32 $-6.103515630e-05, v0  }
0x2f6: {  	p0 =	sne.s32 s0, s9  }
.Ltmp12:
0x2f7: {  	[tilespmem:$0x2680] =	vst v0;
	(pc) =	sbr.rel @p0 .LBB2_1-.Ltmp12, $4  }
0x2f8: {  	[hbm4b:s8+s3] =	stream.linear.scatter [tilespmem:s30], [sflag:$0xA], $0x10, $0x38;
	[tilespmem:$0x2700] =	vst v63  }
0x2f9: {  	_ =	swait.ge [sflag:s31], $0x10  }
0x2fa: {  	[sflag:s31] =	ssyncset.done $0x0  }
0x2fb: {  	[sflag:s31] =	ssyncadd.s32 $0xFFFFFFF0  }
0x2fc: {  	_ =	sfence.sel $0x180000  }
0x2fd: {  	[bflag:$0x0] =	sbarrier.arrive $0xFFFF  }
0x2fe: {  	_ =	strace $0x90000047  }
0x2ff: {  	s0 =	stileid.u32;
	[bflag:$0x2] =	sbarrier.arrive $0xFFFF  }
0x300: {  	p0 =	sne.s32 s0, $0x0;
	s0 =	rddreg [dreg:$0x4]  }
0x301: {  	s0 =	sadd.s32 @!p0 $0x100000, s0  }
0x302: {  	[sflag:s0] =	ssyncadd.tile.s32 @!p0 $0x1;
	_ =	shalt  }
.Lfunc_end2:
_tile_overlayer_lowered:
.L_overlay_start_2:
0x303: {  	(tag) =	ssettag $0x2  }
0x304: {  	s0 =	rddreg [dreg:$0x0];
	s2 =	stileid.u32  }
0x305: {  	s1 =	rddreg [dreg:$0x1];
	p0 =	sne.s32 s2, $0x0  }
0x306: {  	s3 =	rddreg [dreg:$0x2];
	[bflag:$0x3] =	sbarrier.arrive $0xFFFF;
	s2 =	simm.s32 @!p0 $0x1C0A  }
0x307: {  	[timem:s3], [sflag:s2] =	dma.local @!p0 [hbm:s0], s1  }
0x308: {  	s0 =	simm.s32 @!p0 $0xA  }
0x309: {  	_ =	swait.ge @!p0 [sflag:s0], s1  }
0x30a: {  	s1 =	ssub.s32 @!p0 $0x0, s1;
	[sflag:s0] =	ssyncset.done @!p0 $0x0  }
0x30b: {  	[sflag:s0] =	ssyncadd.s32 @!p0 s1  }
0x30c: {  	[bflag:$0x3] =	sbarrier.arrive $0xFFFF  }
0x30d: {  	_ =	shalt  }

</sc_bundles>
